<compile_context>
chip_gen: v7x
topology: tpu7x:2x2x1
jax: 0.10.2.dev20260603
libtpu: 0.0.44.dev20260713+nightly
codegen_flags: <defaults>
</compile_context>

<pallas_src>
import functools

import jax
import jax.numpy as jnp
from jax import lax
from jax.experimental import pallas as pl
from jax.experimental.pallas import tpu as pltpu
from jax.experimental.pallas import tpu_sc as plsc

_N = 10000
_NPAD = 10240
_DUMMY = 10100
_EPT = 10240
_NCH = _EPT // 128
_EP = _EPT * 16



def _matmul_body(x_ref, w_ref, o_ref):
    o_ref[...] = jnp.dot(x_ref[...], w_ref[...],
                         preferred_element_type=jnp.float32)


def _matmul(x, w):
    npad, f = x.shape
    c = w.shape[1]
    nb = npad // 256
    return pl.pallas_call(
        _matmul_body,
        grid=(nb,),
        in_specs=[
            pl.BlockSpec((256, f), lambda i: (i, 0)),
            pl.BlockSpec((f, c), lambda i: (0, 0)),
        ],
        out_specs=pl.BlockSpec((256, c), lambda i: (i, 0)),
        out_shape=jax.ShapeDtypeStruct((npad, c), jnp.float32),
    )(x, w)



def _sc_aggregate(ytab, gidx, dste):
    mesh = plsc.VectorSubcoreMesh(core_axis_name="c", subcore_axis_name="s")
    zrows = jnp.zeros((640, 128), jnp.float32)

    @functools.partial(
        pl.kernel, mesh=mesh,
        out_type=jax.ShapeDtypeStruct((2 * _NPAD, 128), jnp.float32),
        scratch_types=[
            pltpu.VMEM((128,), jnp.int32),
            pltpu.VMEM((128,), jnp.int32),
            pltpu.VMEM((128,), jnp.int32),
            pltpu.VMEM((128,), jnp.int32),
            pltpu.VMEM((128, 128), jnp.float32),
            pltpu.VMEM((128, 128), jnp.float32),
            pltpu.SemaphoreType.DMA,
            pltpu.SemaphoreType.DMA,
            pltpu.VMEM_SHARED((_NPAD, 128), jnp.float32),
        ],
    )
    def k(gidx_h, dst_h, zrows_h, ytab_h, agg_o,
          idx0_v, idx1_v, dst0_v, dst1_v, rows0_v, rows1_v, sem0, sem1,
          agg_s):
        c = lax.axis_index("c")
        s = lax.axis_index("s")
        rbase = s * 640
        pltpu.sync_copy(zrows_h, agg_s.at[pl.ds(rbase, 640)])
        plsc.subcore_barrier()

        ebase = s * _EPT
        gbase = c * _EP + ebase

        def start(j, idx_v, dst_v, rows_v, sem):
            go = pl.multiple_of(gbase + j * 128, 128)
            eo = pl.multiple_of(ebase + j * 128, 128)
            pltpu.sync_copy(gidx_h.at[pl.ds(go, 128)], idx_v)
            pltpu.sync_copy(dst_h.at[pl.ds(eo, 128)], dst_v)
            pltpu.async_copy(ytab_h.at[idx_v], rows_v, sem)

        def finish(dst_v, rows_v, sem):
            pltpu.make_async_copy(ytab_h.at[pl.ds(0, 128)], rows_v, sem).wait()
            pltpu.sync_copy(rows_v, agg_s.at[dst_v], add=True)

        start(0, idx0_v, dst0_v, rows0_v, sem0)

        def pair(i, carry):
            start(2 * i + 1, idx1_v, dst1_v, rows1_v, sem1)
            finish(dst0_v, rows0_v, sem0)
            j2 = jnp.where(i == _NCH // 2 - 1, 0, 2 * i + 2)
            start(j2, idx0_v, dst0_v, rows0_v, sem0)
            finish(dst1_v, rows1_v, sem1)
            return carry

        lax.fori_loop(0, _NCH // 2, pair, 0)
        pltpu.make_async_copy(ytab_h.at[pl.ds(0, 128)], rows0_v, sem0).wait()
        plsc.subcore_barrier()

        obase = pl.multiple_of(c * _NPAD + rbase, 128)
        pltpu.sync_copy(agg_s.at[pl.ds(rbase, 640)], agg_o.at[pl.ds(obase, 640)])

    return k(gidx, dste, zrows, ytab)


_EPT2 = 5120
_NCH2 = _EPT2 // 128
_EP2 = _EPT2 * 32


def _sc_degree(dste2):
    mesh = plsc.VectorSubcoreMesh(core_axis_name="c", subcore_axis_name="s")
    zrows = jnp.zeros((640, 128), jnp.float32)
    ones = jnp.ones((128, 128), jnp.float32)

    @functools.partial(
        pl.kernel, mesh=mesh,
        out_type=jax.ShapeDtypeStruct((2 * _NPAD, 128), jnp.float32),
        scratch_types=[
            pltpu.VMEM((128,), jnp.int32),
            pltpu.VMEM((128, 128), jnp.float32),
            pltpu.VMEM_SHARED((_NPAD, 128), jnp.float32),
        ],
    )
    def k(dst_h, zrows_h, ones_h, deg_o, dst_v, ones_v, deg_s):
        c = lax.axis_index("c")
        s = lax.axis_index("s")
        rbase = s * 640
        pltpu.sync_copy(zrows_h, deg_s.at[pl.ds(rbase, 640)])
        pltpu.sync_copy(ones_h, ones_v)
        plsc.subcore_barrier()

        ebase = (s * 2 + c) * _EPT2

        def chunk(j, carry):
            eo = pl.multiple_of(ebase + j * 128, 128)
            pltpu.sync_copy(dst_h.at[pl.ds(eo, 128)], dst_v)
            pltpu.sync_copy(ones_v, deg_s.at[dst_v], add=True)
            return carry

        lax.fori_loop(0, _NCH2, chunk, 0)
        plsc.subcore_barrier()

        obase = pl.multiple_of(c * _NPAD + rbase, 128)
        pltpu.sync_copy(deg_s.at[pl.ds(rbase, 640)], deg_o.at[pl.ds(obase, 640)])

    return k(dste2, zrows, ones)


_QPT = 256
_Q = _QPT * 32


def _sc_decode_gather(embp, rtab, srcq, dstq, relq):
    mesh = plsc.VectorSubcoreMesh(core_axis_name="c", subcore_axis_name="s")
    otype = jax.ShapeDtypeStruct((_Q, 256), jnp.float32)

    @functools.partial(
        pl.kernel, mesh=mesh,
        out_type=[otype, otype, otype],
        scratch_types=[
            pltpu.VMEM((128,), jnp.int32),
            pltpu.VMEM((128, 256), jnp.float32),
            pltpu.SemaphoreType.DMA,
        ],
    )
    def k(src_h, dst_h, rel_h, emb_h, rtab_h, es_o, ed_o, er_o,
          idx_v, rows_v, sem):
        c = lax.axis_index("c")
        s = lax.axis_index("s")
        qbase = (s * 2 + c) * _QPT

        def chunk(j, carry):
            qo = pl.multiple_of(qbase + j * 128, 128)
            for ih, th, oh in ((src_h, emb_h, es_o), (dst_h, emb_h, ed_o),
                               (rel_h, rtab_h, er_o)):
                pltpu.sync_copy(ih.at[pl.ds(qo, 128)], idx_v)
                pltpu.async_copy(th.at[idx_v], rows_v, sem).wait()
                pltpu.sync_copy(rows_v, oh.at[pl.ds(qo, 128)])
            return carry

        lax.fori_loop(0, _QPT // 128, chunk, 0)

    return k(srcq, dstq, relq, embp, rtab)


def _score_body(es_ref, er_ref, ed_ref, o_ref):
    s = jnp.sum(es_ref[...] * er_ref[...] * ed_ref[...], axis=1)
    o_ref[...] = s.reshape(o_ref.shape)


def _distmult_score(es, er, ed):
    grid = _Q // 1024
    out = pl.pallas_call(
        _score_body,
        grid=(grid,),
        in_specs=[pl.BlockSpec((1024, 256), lambda i: (i, 0))] * 3,
        out_specs=pl.BlockSpec((8, 128), lambda i: (i, 0)),
        out_shape=jax.ShapeDtypeStruct((_Q // 128, 128), jnp.float32),
    )(es, er, ed)
    return out.reshape(_Q)



def _mixw_body(nb, c_ref, b_ref, o_ref):
    r = pl.program_id(0)
    acc = b_ref[0] * c_ref[r, 0]
    for b in range(1, nb):
        acc += b_ref[b] * c_ref[r, b]
    o_ref[...] = acc


def _mix_weights(coeffs, bases):
    r, nb = coeffs.shape
    _, f, h = bases.shape
    return pl.pallas_call(
        functools.partial(_mixw_body, nb),
        grid=(r,),
        in_specs=[
            pl.BlockSpec(memory_space=pltpu.SMEM),
            pl.BlockSpec((nb, f, h), lambda i: (0, 0, 0)),
        ],
        out_specs=pl.BlockSpec((f, h), lambda i: (0, i)),
        out_shape=jax.ShapeDtypeStruct((f, r * h), jnp.float32),
    )(coeffs, bases)


def _combine_body(relu, agg_ref, deg_ref, selfb_ref, bias_ref, o_ref):
    deg = jnp.maximum(deg_ref[0, 0, :], 1.0)
    out = agg_ref[0] / deg[:, None] + selfb_ref[...] + bias_ref[0, 0]
    if relu:
        out = jnp.maximum(out, 0.0)
    o_ref[...] = out


def _combine(aggs, deg2, z, bias, relu):
    nb = _NPAD // 128
    off = z.shape[1] // 128 - 2
    return pl.pallas_call(
        functools.partial(_combine_body, relu),
        grid=(nb, 2),
        in_specs=[
            pl.BlockSpec((1, 128, 128), lambda i, c: (c, i, 0)),
            pl.BlockSpec((1, 1, 128), lambda i, c: (i, 0, 0)),
            pl.BlockSpec((128, 128), lambda i, c: (i, off + c)),
            pl.BlockSpec((1, 1, 128), lambda i, c: (c, 0, 0)),
        ],
        out_specs=pl.BlockSpec((128, 128), lambda i, c: (i, c)),
        out_shape=jax.ShapeDtypeStruct((_NPAD, 256), jnp.float32),
    )(aggs, deg2, z, bias.reshape(2, 1, 128))


def _layer(xp, gidx, dste, deg2, wcat, wself, bias, relu):
    z = _matmul(xp, jnp.concatenate([wcat, wself], axis=1))
    ytab = z.reshape(_NPAD * (z.shape[1] // 128), 128)
    agg = _sc_aggregate(ytab, gidx, dste)
    return _combine(agg.reshape(2, _NPAD, 128), deg2, z, bias, relu)


def kernel(edge_index, edge_type, src, dst, rel, node_features, num_nodes,
           bases0, coeffs0, wself0, bias0,
           bases1, coeffs1, wself1, bias1,
           rel_emb, wcls, bcls):
    n, f = node_features.shape
    r = coeffs0.shape[0]
    h = wself0.shape[1]

    g0 = edge_index[0] * (2 * r + 2) + edge_type * 2
    pad = _EP - g0.shape[0]
    g0p = jnp.pad(g0, (0, pad))
    gidx = jnp.concatenate([g0p, g0p + 1]).astype(jnp.int32)
    dste = jnp.pad(edge_index[1], (0, pad),
                   constant_values=_DUMMY).astype(jnp.int32)

    degp = _sc_degree(dste)
    deg2 = (degp[:_NPAD, 0] + degp[_NPAD:, 0]).reshape(_NPAD // 128, 1, 128)

    xp = jnp.pad(node_features, ((0, _NPAD - n), (0, 0)))
    w0 = _mix_weights(coeffs0, bases0)
    h1 = _layer(xp, gidx, dste, deg2, w0, wself0, bias0, relu=True)
    w1 = _mix_weights(coeffs1, bases1)
    emb_p = _layer(h1, gidx, dste, deg2, w1, wself1, bias1, relu=False)

    es, ed, er = _sc_decode_gather(emb_p, rel_emb,
                                   src.astype(jnp.int32),
                                   dst.astype(jnp.int32),
                                   rel.astype(jnp.int32))
    link_scores = _distmult_score(es, er, ed)
    wcls_p = jnp.pad(wcls, ((0, 0), (0, 128 - wcls.shape[1])))
    node_logits = _matmul(emb_p, wcls_p)[:n, :wcls.shape[1]] + bcls
    return (link_scores, node_logits)

# --- scband reference (transcript-rebuilt; emitter-appended) ---
"""Pipeline reference for scband-rgcnbinary-detective-72799695667853 (READ-ONLY COPY).

The authoritative reference and input builder live on the scoring server;
editing this copy changes nothing except your own understanding.
"""

import jax, jax.numpy as jnp
import numpy as np

N = 10000
E = 160000
R = 16
NB = 8
F = 256
H = 256
Q = 8192


def setup_inputs(seed: int = 0) -> dict:
    key = jax.random.key(seed)
    ks = jax.random.split(key, 20)
    edge_index = jax.random.randint(ks[0], (2, E), 0, N)
    edge_type = jax.random.randint(ks[1], (E,), 0, R)
    src = jax.random.randint(ks[2], (Q,), 0, N)
    dst = jax.random.randint(ks[3], (Q,), 0, N)
    rel = jax.random.randint(ks[4], (Q,), 0, R)
    node_features = jax.random.normal(ks[5], (N, F), dtype=jnp.float32)
    bases0 = jax.random.normal(ks[6], (NB, F, H), dtype=jnp.float32) * (1.0 / np.sqrt(F))
    coeffs0 = jax.random.normal(ks[7], (R, NB), dtype=jnp.float32) * (1.0 / np.sqrt(NB))
    wself0 = jax.random.normal(ks[8], (F, H), dtype=jnp.float32) * (1.0 / np.sqrt(F))
    bias0 = jnp.zeros((H,), dtype=jnp.float32)
    bases1 = jax.random.normal(ks[9], (NB, H, H), dtype=jnp.float32) * (1.0 / np.sqrt(H))
    coeffs1 = jax.random.normal(ks[10], (R, NB), dtype=jnp.float32) * (1.0 / np.sqrt(NB))
    wself1 = jax.random.normal(ks[11], (H, H), dtype=jnp.float32) * (1.0 / np.sqrt(H))
    bias1 = jnp.zeros((H,), dtype=jnp.float32)
    rel_emb = jax.random.normal(ks[12], (R, H), dtype=jnp.float32) * (1.0 / np.sqrt(H))
    wcls = jax.random.normal(ks[13], (H, 2), dtype=jnp.float32) * (1.0 / np.sqrt(H))
    bcls = jnp.zeros((2,), dtype=jnp.float32)
    return {
        'edge_index': edge_index, 'edge_type': edge_type,
        'src': src, 'dst': dst, 'rel': rel,
        'node_features': node_features, 'num_nodes': N,
        'bases0': bases0, 'coeffs0': coeffs0, 'wself0': wself0, 'bias0': bias0,
        'bases1': bases1, 'coeffs1': coeffs1, 'wself1': wself1, 'bias1': bias1,
        'rel_emb': rel_emb, 'wcls': wcls, 'bcls': bcls,
    }


def _rgcn_layer(x, edge_index, edge_type, bases, coeffs, w_self, bias, num_nodes):
    # Basis-decomposition RGCN layer:
    #   msg_e = sum_b coeffs[rel_e, b] * (x[src_e] @ bases_b)
    #   agg[d] = mean over incoming edges of msg_e
    # Rearranged (exactly equivalent) so the per-basis scatter happens on raw
    # features first, then one dense einsum mixes bases:
    s = edge_index[0]
    d = edge_index[1]
    xs = x[s]                                  # (E, F) gather
    c = coeffs[edge_type]                      # (E, NB) gather
    nb = bases.shape[0]
    fin = x.shape[1]
    n = x.shape[0]
    one = jnp.asarray(num_nodes // num_nodes, x.dtype)
    S = jnp.stack(
        [jnp.zeros((n, fin), x.dtype).at[d].add(xs * c[:, b:b + 1]) for b in range(nb)],
        axis=1,
    )                                          # (N, NB, F)
    agg = jnp.einsum('nbf,bfo->no', S, bases)  # (N, H) dense compute
    deg = jnp.zeros((n,), x.dtype).at[d].add(one)
    agg = agg / jnp.clip(deg, 1.0)[:, None]
    return agg + x @ w_self + bias


def reference(edge_index, edge_type, src, dst, rel, node_features, num_nodes,
              bases0, coeffs0, wself0, bias0,
              bases1, coeffs1, wself1, bias1,
              rel_emb, wcls, bcls):
    h = _rgcn_layer(node_features, edge_index, edge_type, bases0, coeffs0, wself0, bias0, num_nodes)
    h = jax.nn.relu(h)
    emb = _rgcn_layer(h, edge_index, edge_type, bases1, coeffs1, wself1, bias1, num_nodes)
    # DistMult link decoder
    link_scores = jnp.sum(emb[src] * rel_emb[rel] * emb[dst], axis=-1)  # (Q,)
    # Binary node classifier
    node_logits = emb @ wcls + bcls                                     # (N, 2)
    return (link_scores, node_logits)

if __name__ == "__main__":
    import jax
    _d = setup_inputs()
    print(jax.jit(kernel)(*tuple(_d.values())))

</pallas_src>

<mosaic_0001>
#map = affine_map<(d0, d1) -> (0)>
#map1 = affine_map<(d0, d1) -> (0, 0)>
module attributes {stable_mosaic.version = 14 : i64} {
  func.func @k(%arg0: i32, %arg1: i32, %arg2: memref<163840xi32, #tpu.memory_space<hbm>>, %arg3: memref<640x128xf32, #tpu.memory_space<hbm>>, %arg4: memref<128x128xf32, #tpu.memory_space<hbm>>, %arg5: memref<20480x128xf32, #tpu.memory_space<hbm>>, %arg6: memref<128xi32, #tpu.memory_space<vmem>>, %arg7: memref<128x128xf32, #tpu.memory_space<vmem>>, %arg8: memref<10240x128xf32, #tpu.memory_space<vmem_shared>>) attributes {dimension_semantics = [#tpu.dimension_semantics<core_parallel>, #tpu.dimension_semantics<subcore_parallel>], iteration_bounds = array<i64: 2, 16>, scalar_prefetch = 0 : i64, scratch_operands = 3 : i64, tpu.core_type = #tpu.core_type<sc_vector_subcore>, window_params = [{transform_indices = #map}, {transform_indices = #map1}, {transform_indices = #map1}, {transform_indices = #map1}]} {
    %mul3A = arith.constant 640 : i32
    %mul3A_0 = arith.muli %arg1, %mul3A : i32
    "tpu.region"() ({
      %run_scoped3A = tpu.sem_alloc : memref<!tpu.dma_semaphore, #tpu.memory_space<semaphore_mem>>
      %dma_start3A = arith.constant 0 : i32
      %dma_start3A_14 = tpu.memref_slice %arg8[%mul3A_0, %dma_start3A] : memref<10240x128xf32, #tpu.memory_space<vmem_shared>> -> memref<640x128xf32, #tpu.memory_space<vmem_shared>>
      tpu.enqueue_dma source(%arg3 : memref<640x128xf32, #tpu.memory_space<hbm>>) target(%dma_start3A_14 : memref<640x128xf32, #tpu.memory_space<vmem_shared>>) target_semaphore(%run_scoped3A : memref<!tpu.dma_semaphore, #tpu.memory_space<semaphore_mem>>)
      %dma_wait3A = arith.constant 0 : i32
      %dma_wait3A_15 = tpu.memref_slice %arg8[%mul3A_0, %dma_wait3A] : memref<10240x128xf32, #tpu.memory_space<vmem_shared>> -> memref<640x128xf32, #tpu.memory_space<vmem_shared>>
      tpu.wait_dma2 semaphore(%run_scoped3A : memref<!tpu.dma_semaphore, #tpu.memory_space<semaphore_mem>>) src(%arg3 : memref<640x128xf32, #tpu.memory_space<hbm>>) dst(%dma_wait3A_15 : memref<640x128xf32, #tpu.memory_space<vmem_shared>>)
      tpu.yield
    }) : () -> ()
    "tpu.region"() ({
      %run_scoped3A = tpu.sem_alloc : memref<!tpu.dma_semaphore, #tpu.memory_space<semaphore_mem>>
      tpu.enqueue_dma source(%arg4 : memref<128x128xf32, #tpu.memory_space<hbm>>) target(%arg7 : memref<128x128xf32, #tpu.memory_space<vmem>>) target_semaphore(%run_scoped3A : memref<!tpu.dma_semaphore, #tpu.memory_space<semaphore_mem>>)
      tpu.wait_dma2 semaphore(%run_scoped3A : memref<!tpu.dma_semaphore, #tpu.memory_space<semaphore_mem>>) src(%arg4 : memref<128x128xf32, #tpu.memory_space<hbm>>) dst(%arg7 : memref<128x128xf32, #tpu.memory_space<vmem>>)
      tpu.yield
    }) : () -> ()
    %barrier3A = arith.constant 0 : index
    tpu.barrier barrier_id(%barrier3A)
    %mul3A_1 = arith.constant 2 : i32
    %mul3A_2 = arith.muli %arg1, %mul3A_1 : i32
    %add3A = arith.addi %mul3A_2, %arg0 : i32
    %mul3A_3 = arith.constant 5120 : i32
    %mul3A_4 = arith.muli %add3A, %mul3A_3 : i32
    %scan3A = arith.constant 0 : i32
    %scan3A_5 = arith.constant 0 : i32
    %scan3A_6 = arith.constant 40 : i32
    %scan3A_7 = arith.addi %scan3A_5, %scan3A_6 : i32
    %scan3A_8 = arith.constant 1 : i32
    scf.for %scan3A_14 = %scan3A_5 to %scan3A_7 step %scan3A_8  : i32 {
      %mul3A_15 = arith.constant 128 : i32
      %mul3A_16 = arith.muli %scan3A_14, %mul3A_15 : i32
      %add3A_17 = arith.addi %mul3A_4, %mul3A_16 : i32
      %multiple_of3A_18 = tpu.assume_multiple %add3A_17, 128 : i32
      "tpu.region"() ({
        %run_scoped3A = tpu.sem_alloc : memref<!tpu.dma_semaphore, #tpu.memory_space<semaphore_mem>>
        %dma_start3A = tpu.memref_slice %arg2[%multiple_of3A_18] : memref<163840xi32, #tpu.memory_space<hbm>> -> memref<128xi32, #tpu.memory_space<hbm>>
        %dma_start3A_19 = tpu.memref_slice %arg2[%multiple_of3A_18] : memref<163840xi32, #tpu.memory_space<hbm>> -> memref<128xi32, #tpu.memory_space<hbm>>
        tpu.enqueue_dma source(%dma_start3A_19 : memref<128xi32, #tpu.memory_space<hbm>>) target(%arg6 : memref<128xi32, #tpu.memory_space<vmem>>) target_semaphore(%run_scoped3A : memref<!tpu.dma_semaphore, #tpu.memory_space<semaphore_mem>>)
        %dma_wait3A = tpu.memref_slice %arg2[%multiple_of3A_18] : memref<163840xi32, #tpu.memory_space<hbm>> -> memref<128xi32, #tpu.memory_space<hbm>>
        %dma_wait3A_20 = tpu.memref_slice %arg2[%multiple_of3A_18] : memref<163840xi32, #tpu.memory_space<hbm>> -> memref<128xi32, #tpu.memory_space<hbm>>
        tpu.wait_dma2 semaphore(%run_scoped3A : memref<!tpu.dma_semaphore, #tpu.memory_space<semaphore_mem>>) src(%dma_wait3A_20 : memref<128xi32, #tpu.memory_space<hbm>>) dst(%arg6 : memref<128xi32, #tpu.memory_space<vmem>>)
        tpu.yield
      }) : () -> ()
      "tpu.region"() ({
        %run_scoped3A = tpu.sem_alloc : memref<!tpu.dma_semaphore, #tpu.memory_space<semaphore_mem>>
        %dma_start3A = arith.constant 0 : i32
        %dma_start3A_19 = arith.constant 0 : i32
        %dma_start3A_20 = tpu.memref_slice %arg8[%dma_start3A, %dma_start3A_19] : memref<10240x128xf32, #tpu.memory_space<vmem_shared>> -> memref<10240x128xf32, #tpu.memory_space<vmem_shared>>
        tpu.enqueue_indirect_dma source(%arg7 : memref<128x128xf32, #tpu.memory_space<vmem>>) target(%dma_start3A_20 : memref<10240x128xf32, #tpu.memory_space<vmem_shared>>) offsets(%arg6 : memref<128xi32, #tpu.memory_space<vmem>>) semaphore(%run_scoped3A : memref<!tpu.dma_semaphore, #tpu.memory_space<semaphore_mem>>) {add = true}
        %dma_wait3A = arith.constant 0 : i32
        %dma_wait3A_21 = arith.constant 0 : i32
        %dma_wait3A_22 = tpu.memref_slice %arg8[%dma_wait3A, %dma_wait3A_21] : memref<10240x128xf32, #tpu.memory_space<vmem_shared>> -> memref<10240x128xf32, #tpu.memory_space<vmem_shared>>
        tpu.wait_indirect_dma semaphore(%run_scoped3A : memref<!tpu.dma_semaphore, #tpu.memory_space<semaphore_mem>>) src(%arg7 : memref<128x128xf32, #tpu.memory_space<vmem>>) dst(%dma_wait3A_22 : memref<10240x128xf32, #tpu.memory_space<vmem_shared>>)
        tpu.yield
      }) : () -> ()
    }
    %scan3A_9 = arith.constant 40 : i32
    %barrier3A_10 = arith.constant 0 : index
    tpu.barrier barrier_id(%barrier3A_10)
    %mul3A_11 = arith.constant 10240 : i32
    %mul3A_12 = arith.muli %arg0, %mul3A_11 : i32
    %add3A_13 = arith.addi %mul3A_12, %mul3A_0 : i32
    %multiple_of3A = tpu.assume_multiple %add3A_13, 128 : i32
    "tpu.region"() ({
      %run_scoped3A = tpu.sem_alloc : memref<!tpu.dma_semaphore, #tpu.memory_space<semaphore_mem>>
      %dma_start3A = arith.constant 0 : i32
      %dma_start3A_14 = tpu.memref_slice %arg5[%multiple_of3A, %dma_start3A] : memref<20480x128xf32, #tpu.memory_space<hbm>> -> memref<640x128xf32, #tpu.memory_space<hbm>>
      %dma_start3A_15 = arith.constant 0 : i32
      %dma_start3A_16 = tpu.memref_slice %arg8[%mul3A_0, %dma_start3A_15] : memref<10240x128xf32, #tpu.memory_space<vmem_shared>> -> memref<640x128xf32, #tpu.memory_space<vmem_shared>>
      tpu.enqueue_dma source(%dma_start3A_16 : memref<640x128xf32, #tpu.memory_space<vmem_shared>>) target(%dma_start3A_14 : memref<640x128xf32, #tpu.memory_space<hbm>>) target_semaphore(%run_scoped3A : memref<!tpu.dma_semaphore, #tpu.memory_space<semaphore_mem>>)
      %dma_wait3A = arith.constant 0 : i32
      %dma_wait3A_17 = tpu.memref_slice %arg5[%multiple_of3A, %dma_wait3A] : memref<20480x128xf32, #tpu.memory_space<hbm>> -> memref<640x128xf32, #tpu.memory_space<hbm>>
      %dma_wait3A_18 = arith.constant 0 : i32
      %dma_wait3A_19 = tpu.memref_slice %arg8[%mul3A_0, %dma_wait3A_18] : memref<10240x128xf32, #tpu.memory_space<vmem_shared>> -> memref<640x128xf32, #tpu.memory_space<vmem_shared>>
      tpu.wait_dma2 semaphore(%run_scoped3A : memref<!tpu.dma_semaphore, #tpu.memory_space<semaphore_mem>>) src(%dma_wait3A_19 : memref<640x128xf32, #tpu.memory_space<vmem_shared>>) dst(%dma_wait3A_17 : memref<640x128xf32, #tpu.memory_space<hbm>>)
      tpu.yield
    }) : () -> ()
    return
  }
}

#map = affine_map<(d0, d1) -> (0)>
#map1 = affine_map<(d0, d1) -> (0, 0)>
module attributes {stable_mosaic.version = 14 : i64} {
  func.func @k(%arg0: i32, %arg1: i32, %arg2: memref<327680xi32, #tpu.memory_space<hbm>>, %arg3: memref<163840xi32, #tpu.memory_space<hbm>>, %arg4: memref<640x128xf32, #tpu.memory_space<hbm>>, %arg5: memref<348160x128xf32, #tpu.memory_space<hbm>>, %arg6: memref<20480x128xf32, #tpu.memory_space<hbm>>, %arg7: memref<128xi32, #tpu.memory_space<vmem>>, %arg8: memref<128xi32, #tpu.memory_space<vmem>>, %arg9: memref<128xi32, #tpu.memory_space<vmem>>, %arg10: memref<128xi32, #tpu.memory_space<vmem>>, %arg11: memref<128x128xf32, #tpu.memory_space<vmem>>, %arg12: memref<128x128xf32, #tpu.memory_space<vmem>>, %arg13: memref<!tpu.dma_semaphore, #tpu.memory_space<semaphore_mem>>, %arg14: memref<!tpu.dma_semaphore, #tpu.memory_space<semaphore_mem>>, %arg15: memref<10240x128xf32, #tpu.memory_space<vmem_shared>>) attributes {dimension_semantics = [#tpu.dimension_semantics<core_parallel>, #tpu.dimension_semantics<subcore_parallel>], iteration_bounds = array<i64: 2, 16>, scalar_prefetch = 0 : i64, scratch_operands = 9 : i64, tpu.core_type = #tpu.core_type<sc_vector_subcore>, window_params = [{transform_indices = #map}, {transform_indices = #map}, {transform_indices = #map1}, {transform_indices = #map1}, {transform_indices = #map1}]} {
    %mul3A = arith.constant 640 : i32
    %mul3A_0 = arith.muli %arg1, %mul3A : i32
    "tpu.region"() ({
      %run_scoped3A = tpu.sem_alloc : memref<!tpu.dma_semaphore, #tpu.memory_space<semaphore_mem>>
      %dma_start3A_27 = arith.constant 0 : i32
      %dma_start3A_28 = tpu.memref_slice %arg15[%mul3A_0, %dma_start3A_27] : memref<10240x128xf32, #tpu.memory_space<vmem_shared>> -> memref<640x128xf32, #tpu.memory_space<vmem_shared>>
      tpu.enqueue_dma source(%arg4 : memref<640x128xf32, #tpu.memory_space<hbm>>) target(%dma_start3A_28 : memref<640x128xf32, #tpu.memory_space<vmem_shared>>) target_semaphore(%run_scoped3A : memref<!tpu.dma_semaphore, #tpu.memory_space<semaphore_mem>>)
      %dma_wait3A_29 = arith.constant 0 : i32
      %dma_wait3A_30 = tpu.memref_slice %arg15[%mul3A_0, %dma_wait3A_29] : memref<10240x128xf32, #tpu.memory_space<vmem_shared>> -> memref<640x128xf32, #tpu.memory_space<vmem_shared>>
      tpu.wait_dma2 semaphore(%run_scoped3A : memref<!tpu.dma_semaphore, #tpu.memory_space<semaphore_mem>>) src(%arg4 : memref<640x128xf32, #tpu.memory_space<hbm>>) dst(%dma_wait3A_30 : memref<640x128xf32, #tpu.memory_space<vmem_shared>>)
      tpu.yield
    }) : () -> ()
    %barrier3A = arith.constant 0 : index
    tpu.barrier barrier_id(%barrier3A)
    %mul3A_1 = arith.constant 10240 : i32
    %mul3A_2 = arith.muli %arg1, %mul3A_1 : i32
    %mul3A_3 = arith.constant 163840 : i32
    %mul3A_4 = arith.muli %arg0, %mul3A_3 : i32
    %add3A = arith.addi %mul3A_4, %mul3A_2 : i32
    %add3A_5 = arith.constant 0 : i32
    %add3A_6 = arith.addi %add3A, %add3A_5 : i32
    %multiple_of3A = tpu.assume_multiple %add3A_6, 128 : i32
    %add3A_7 = arith.constant 0 : i32
    %add3A_8 = arith.addi %mul3A_2, %add3A_7 : i32
    %multiple_of3A_9 = tpu.assume_multiple %add3A_8, 128 : i32
    "tpu.region"() ({
      %run_scoped3A = tpu.sem_alloc : memref<!tpu.dma_semaphore, #tpu.memory_space<semaphore_mem>>
      %dma_start3A_27 = tpu.memref_slice %arg2[%multiple_of3A] : memref<327680xi32, #tpu.memory_space<hbm>> -> memref<128xi32, #tpu.memory_space<hbm>>
      %dma_start3A_28 = tpu.memref_slice %arg2[%multiple_of3A] : memref<327680xi32, #tpu.memory_space<hbm>> -> memref<128xi32, #tpu.memory_space<hbm>>
      tpu.enqueue_dma source(%dma_start3A_28 : memref<128xi32, #tpu.memory_space<hbm>>) target(%arg7 : memref<128xi32, #tpu.memory_space<vmem>>) target_semaphore(%run_scoped3A : memref<!tpu.dma_semaphore, #tpu.memory_space<semaphore_mem>>)
      %dma_wait3A_29 = tpu.memref_slice %arg2[%multiple_of3A] : memref<327680xi32, #tpu.memory_space<hbm>> -> memref<128xi32, #tpu.memory_space<hbm>>
      %dma_wait3A_30 = tpu.memref_slice %arg2[%multiple_of3A] : memref<327680xi32, #tpu.memory_space<hbm>> -> memref<128xi32, #tpu.memory_space<hbm>>
      tpu.wait_dma2 semaphore(%run_scoped3A : memref<!tpu.dma_semaphore, #tpu.memory_space<semaphore_mem>>) src(%dma_wait3A_30 : memref<128xi32, #tpu.memory_space<hbm>>) dst(%arg7 : memref<128xi32, #tpu.memory_space<vmem>>)
      tpu.yield
    }) : () -> ()
    "tpu.region"() ({
      %run_scoped3A = tpu.sem_alloc : memref<!tpu.dma_semaphore, #tpu.memory_space<semaphore_mem>>
      %dma_start3A_27 = tpu.memref_slice %arg3[%multiple_of3A_9] : memref<163840xi32, #tpu.memory_space<hbm>> -> memref<128xi32, #tpu.memory_space<hbm>>
      %dma_start3A_28 = tpu.memref_slice %arg3[%multiple_of3A_9] : memref<163840xi32, #tpu.memory_space<hbm>> -> memref<128xi32, #tpu.memory_space<hbm>>
      tpu.enqueue_dma source(%dma_start3A_28 : memref<128xi32, #tpu.memory_space<hbm>>) target(%arg9 : memref<128xi32, #tpu.memory_space<vmem>>) target_semaphore(%run_scoped3A : memref<!tpu.dma_semaphore, #tpu.memory_space<semaphore_mem>>)
      %dma_wait3A_29 = tpu.memref_slice %arg3[%multiple_of3A_9] : memref<163840xi32, #tpu.memory_space<hbm>> -> memref<128xi32, #tpu.memory_space<hbm>>
      %dma_wait3A_30 = tpu.memref_slice %arg3[%multiple_of3A_9] : memref<163840xi32, #tpu.memory_space<hbm>> -> memref<128xi32, #tpu.memory_space<hbm>>
      tpu.wait_dma2 semaphore(%run_scoped3A : memref<!tpu.dma_semaphore, #tpu.memory_space<semaphore_mem>>) src(%dma_wait3A_30 : memref<128xi32, #tpu.memory_space<hbm>>) dst(%arg9 : memref<128xi32, #tpu.memory_space<vmem>>)
      tpu.yield
    }) : () -> ()
    %dma_start3A = arith.constant 0 : i32
    %dma_start3A_10 = arith.constant 0 : i32
    %dma_start3A_11 = tpu.memref_slice %arg5[%dma_start3A, %dma_start3A_10] : memref<348160x128xf32, #tpu.memory_space<hbm>> -> memref<348160x128xf32, #tpu.memory_space<hbm>>
    tpu.enqueue_indirect_dma source(%dma_start3A_11 : memref<348160x128xf32, #tpu.memory_space<hbm>>) target(%arg11 : memref<128x128xf32, #tpu.memory_space<vmem>>) offsets(%arg7 : memref<128xi32, #tpu.memory_space<vmem>>) semaphore(%arg13 : memref<!tpu.dma_semaphore, #tpu.memory_space<semaphore_mem>>)
    %scan3A = arith.constant 0 : i32
    %scan3A_12 = arith.constant 0 : i32
    %scan3A_13 = arith.constant 40 : i32
    %scan3A_14 = arith.addi %scan3A_12, %scan3A_13 : i32
    %scan3A_15 = arith.constant 1 : i32
    scf.for %scan3A_27 = %scan3A_12 to %scan3A_14 step %scan3A_15  : i32 {
      %mul3A_28 = arith.constant 2 : i32
      %mul3A_29 = arith.muli %mul3A_28, %scan3A_27 : i32
      %add3A_30 = arith.constant 1 : i32
      %add3A_31 = arith.addi %mul3A_29, %add3A_30 : i32
      %mul3A_32 = arith.constant 128 : i32
      %mul3A_33 = arith.muli %add3A_31, %mul3A_32 : i32
      %add3A_34 = arith.addi %add3A, %mul3A_33 : i32
      %multiple_of3A_35 = tpu.assume_multiple %add3A_34, 128 : i32
      %mul3A_36 = arith.constant 128 : i32
      %mul3A_37 = arith.muli %add3A_31, %mul3A_36 : i32
      %add3A_38 = arith.addi %mul3A_2, %mul3A_37 : i32
      %multiple_of3A_39 = tpu.assume_multiple %add3A_38, 128 : i32
      "tpu.region"() ({
        %run_scoped3A = tpu.sem_alloc : memref<!tpu.dma_semaphore, #tpu.memory_space<semaphore_mem>>
        %dma_start3A_71 = tpu.memref_slice %arg2[%multiple_of3A_35] : memref<327680xi32, #tpu.memory_space<hbm>> -> memref<128xi32, #tpu.memory_space<hbm>>
        %dma_start3A_72 = tpu.memref_slice %arg2[%multiple_of3A_35] : memref<327680xi32, #tpu.memory_space<hbm>> -> memref<128xi32, #tpu.memory_space<hbm>>
        tpu.enqueue_dma source(%dma_start3A_72 : memref<128xi32, #tpu.memory_space<hbm>>) target(%arg8 : memref<128xi32, #tpu.memory_space<vmem>>) target_semaphore(%run_scoped3A : memref<!tpu.dma_semaphore, #tpu.memory_space<semaphore_mem>>)
        %dma_wait3A_73 = tpu.memref_slice %arg2[%multiple_of3A_35] : memref<327680xi32, #tpu.memory_space<hbm>> -> memref<128xi32, #tpu.memory_space<hbm>>
        %dma_wait3A_74 = tpu.memref_slice %arg2[%multiple_of3A_35] : memref<327680xi32, #tpu.memory_space<hbm>> -> memref<128xi32, #tpu.memory_space<hbm>>
        tpu.wait_dma2 semaphore(%run_scoped3A : memref<!tpu.dma_semaphore, #tpu.memory_space<semaphore_mem>>) src(%dma_wait3A_74 : memref<128xi32, #tpu.memory_space<hbm>>) dst(%arg8 : memref<128xi32, #tpu.memory_space<vmem>>)
        tpu.yield
      }) : () -> ()
      "tpu.region"() ({
        %run_scoped3A = tpu.sem_alloc : memref<!tpu.dma_semaphore, #tpu.memory_space<semaphore_mem>>
        %dma_start3A_71 = tpu.memref_slice %arg3[%multiple_of3A_39] : memref<163840xi32, #tpu.memory_space<hbm>> -> memref<128xi32, #tpu.memory_space<hbm>>
        %dma_start3A_72 = tpu.memref_slice %arg3[%multiple_of3A_39] : memref<163840xi32, #tpu.memory_space<hbm>> -> memref<128xi32, #tpu.memory_space<hbm>>
        tpu.enqueue_dma source(%dma_start3A_72 : memref<128xi32, #tpu.memory_space<hbm>>) target(%arg10 : memref<128xi32, #tpu.memory_space<vmem>>) target_semaphore(%run_scoped3A : memref<!tpu.dma_semaphore, #tpu.memory_space<semaphore_mem>>)
        %dma_wait3A_73 = tpu.memref_slice %arg3[%multiple_of3A_39] : memref<163840xi32, #tpu.memory_space<hbm>> -> memref<128xi32, #tpu.memory_space<hbm>>
        %dma_wait3A_74 = tpu.memref_slice %arg3[%multiple_of3A_39] : memref<163840xi32, #tpu.memory_space<hbm>> -> memref<128xi32, #tpu.memory_space<hbm>>
        tpu.wait_dma2 semaphore(%run_scoped3A : memref<!tpu.dma_semaphore, #tpu.memory_space<semaphore_mem>>) src(%dma_wait3A_74 : memref<128xi32, #tpu.memory_space<hbm>>) dst(%arg10 : memref<128xi32, #tpu.memory_space<vmem>>)
        tpu.yield
      }) : () -> ()
      %dma_start3A_40 = arith.constant 0 : i32
      %dma_start3A_41 = arith.constant 0 : i32
      %dma_start3A_42 = tpu.memref_slice %arg5[%dma_start3A_40, %dma_start3A_41] : memref<348160x128xf32, #tpu.memory_space<hbm>> -> memref<348160x128xf32, #tpu.memory_space<hbm>>
      tpu.enqueue_indirect_dma source(%dma_start3A_42 : memref<348160x128xf32, #tpu.memory_space<hbm>>) target(%arg12 : memref<128x128xf32, #tpu.memory_space<vmem>>) offsets(%arg8 : memref<128xi32, #tpu.memory_space<vmem>>) semaphore(%arg14 : memref<!tpu.dma_semaphore, #tpu.memory_space<semaphore_mem>>)
      %dma_wait3A_43 = arith.constant 0 : i32
      %dma_wait3A_44 = arith.constant 0 : i32
      %dma_wait3A_45 = tpu.memref_slice %arg5[%dma_wait3A_43, %dma_wait3A_44] : memref<348160x128xf32, #tpu.memory_space<hbm>> -> memref<128x128xf32, #tpu.memory_space<hbm>>
      %dma_wait3A_46 = arith.constant 0 : i32
      %dma_wait3A_47 = arith.constant 0 : i32
      %dma_wait3A_48 = tpu.memref_slice %arg5[%dma_wait3A_46, %dma_wait3A_47] : memref<348160x128xf32, #tpu.memory_space<hbm>> -> memref<128x128xf32, #tpu.memory_space<hbm>>
      tpu.wait_dma2 semaphore(%arg13 : memref<!tpu.dma_semaphore, #tpu.memory_space<semaphore_mem>>) src(%dma_wait3A_48 : memref<128x128xf32, #tpu.memory_space<hbm>>) dst(%arg11 : memref<128x128xf32, #tpu.memory_space<vmem>>)
      "tpu.region"() ({
        %run_scoped3A = tpu.sem_alloc : memref<!tpu.dma_semaphore, #tpu.memory_space<semaphore_mem>>
        %dma_start3A_71 = arith.constant 0 : i32
        %dma_start3A_72 = arith.constant 0 : i32
        %dma_start3A_73 = tpu.memref_slice %arg15[%dma_start3A_71, %dma_start3A_72] : memref<10240x128xf32, #tpu.memory_space<vmem_shared>> -> memref<10240x128xf32, #tpu.memory_space<vmem_shared>>
        tpu.enqueue_indirect_dma source(%arg11 : memref<128x128xf32, #tpu.memory_space<vmem>>) target(%dma_start3A_73 : memref<10240x128xf32, #tpu.memory_space<vmem_shared>>) offsets(%arg9 : memref<128xi32, #tpu.memory_space<vmem>>) semaphore(%run_scoped3A : memref<!tpu.dma_semaphore, #tpu.memory_space<semaphore_mem>>) {add = true}
        %dma_wait3A_74 = arith.constant 0 : i32
        %dma_wait3A_75 = arith.constant 0 : i32
        %dma_wait3A_76 = tpu.memref_slice %arg15[%dma_wait3A_74, %dma_wait3A_75] : memref<10240x128xf32, #tpu.memory_space<vmem_shared>> -> memref<10240x128xf32, #tpu.memory_space<vmem_shared>>
        tpu.wait_indirect_dma semaphore(%run_scoped3A : memref<!tpu.dma_semaphore, #tpu.memory_space<semaphore_mem>>) src(%arg11 : memref<128x128xf32, #tpu.memory_space<vmem>>) dst(%dma_wait3A_76 : memref<10240x128xf32, #tpu.memory_space<vmem_shared>>)
        tpu.yield
      }) : () -> ()
      %eq3A = arith.constant 39 : i32
      %eq3A_49 = arith.cmpi eq, %scan3A_27, %eq3A : i32
      %mul3A_50 = arith.constant 2 : i32
      %mul3A_51 = arith.muli %mul3A_50, %scan3A_27 : i32
      %add3A_52 = arith.constant 2 : i32
      %add3A_53 = arith.addi %mul3A_51, %add3A_52 : i32
      %jit3A = arith.constant 0 : i32
      %select_n3A = arith.select %eq3A_49, %jit3A, %add3A_53 : i32
      %mul3A_54 = arith.constant 128 : i32
      %mul3A_55 = arith.muli %select_n3A, %mul3A_54 : i32
      %add3A_56 = arith.addi %add3A, %mul3A_55 : i32
      %multiple_of3A_57 = tpu.assume_multiple %add3A_56, 128 : i32
      %mul3A_58 = arith.constant 128 : i32
      %mul3A_59 = arith.muli %select_n3A, %mul3A_58 : i32
      %add3A_60 = arith.addi %mul3A_2, %mul3A_59 : i32
      %multiple_of3A_61 = tpu.assume_multiple %add3A_60, 128 : i32
      "tpu.region"() ({
        %run_scoped3A = tpu.sem_alloc : memref<!tpu.dma_semaphore, #tpu.memory_space<semaphore_mem>>
        %dma_start3A_71 = tpu.memref_slice %arg2[%multiple_of3A_57] : memref<327680xi32, #tpu.memory_space<hbm>> -> memref<128xi32, #tpu.memory_space<hbm>>
        %dma_start3A_72 = tpu.memref_slice %arg2[%multiple_of3A_57] : memref<327680xi32, #tpu.memory_space<hbm>> -> memref<128xi32, #tpu.memory_space<hbm>>
        tpu.enqueue_dma source(%dma_start3A_72 : memref<128xi32, #tpu.memory_space<hbm>>) target(%arg7 : memref<128xi32, #tpu.memory_space<vmem>>) target_semaphore(%run_scoped3A : memref<!tpu.dma_semaphore, #tpu.memory_space<semaphore_mem>>)
        %dma_wait3A_73 = tpu.memref_slice %arg2[%multiple_of3A_57] : memref<327680xi32, #tpu.memory_space<hbm>> -> memref<128xi32, #tpu.memory_space<hbm>>
        %dma_wait3A_74 = tpu.memref_slice %arg2[%multiple_of3A_57] : memref<327680xi32, #tpu.memory_space<hbm>> -> memref<128xi32, #tpu.memory_space<hbm>>
        tpu.wait_dma2 semaphore(%run_scoped3A : memref<!tpu.dma_semaphore, #tpu.memory_space<semaphore_mem>>) src(%dma_wait3A_74 : memref<128xi32, #tpu.memory_space<hbm>>) dst(%arg7 : memref<128xi32, #tpu.memory_space<vmem>>)
        tpu.yield
      }) : () -> ()
      "tpu.region"() ({
        %run_scoped3A = tpu.sem_alloc : memref<!tpu.dma_semaphore, #tpu.memory_space<semaphore_mem>>
        %dma_start3A_71 = tpu.memref_slice %arg3[%multiple_of3A_61] : memref<163840xi32, #tpu.memory_space<hbm>> -> memref<128xi32, #tpu.memory_space<hbm>>
        %dma_start3A_72 = tpu.memref_slice %arg3[%multiple_of3A_61] : memref<163840xi32, #tpu.memory_space<hbm>> -> memref<128xi32, #tpu.memory_space<hbm>>
        tpu.enqueue_dma source(%dma_start3A_72 : memref<128xi32, #tpu.memory_space<hbm>>) target(%arg9 : memref<128xi32, #tpu.memory_space<vmem>>) target_semaphore(%run_scoped3A : memref<!tpu.dma_semaphore, #tpu.memory_space<semaphore_mem>>)
        %dma_wait3A_73 = tpu.memref_slice %arg3[%multiple_of3A_61] : memref<163840xi32, #tpu.memory_space<hbm>> -> memref<128xi32, #tpu.memory_space<hbm>>
        %dma_wait3A_74 = tpu.memref_slice %arg3[%multiple_of3A_61] : memref<163840xi32, #tpu.memory_space<hbm>> -> memref<128xi32, #tpu.memory_space<hbm>>
        tpu.wait_dma2 semaphore(%run_scoped3A : memref<!tpu.dma_semaphore, #tpu.memory_space<semaphore_mem>>) src(%dma_wait3A_74 : memref<128xi32, #tpu.memory_space<hbm>>) dst(%arg9 : memref<128xi32, #tpu.memory_space<vmem>>)
        tpu.yield
      }) : () -> ()
      %dma_start3A_62 = arith.constant 0 : i32
      %dma_start3A_63 = arith.constant 0 : i32
      %dma_start3A_64 = tpu.memref_slice %arg5[%dma_start3A_62, %dma_start3A_63] : memref<348160x128xf32, #tpu.memory_space<hbm>> -> memref<348160x128xf32, #tpu.memory_space<hbm>>
      tpu.enqueue_indirect_dma source(%dma_start3A_64 : memref<348160x128xf32, #tpu.memory_space<hbm>>) target(%arg11 : memref<128x128xf32, #tpu.memory_space<vmem>>) offsets(%arg7 : memref<128xi32, #tpu.memory_space<vmem>>) semaphore(%arg13 : memref<!tpu.dma_semaphore, #tpu.memory_space<semaphore_mem>>)
      %dma_wait3A_65 = arith.constant 0 : i32
      %dma_wait3A_66 = arith.constant 0 : i32
      %dma_wait3A_67 = tpu.memref_slice %arg5[%dma_wait3A_65, %dma_wait3A_66] : memref<348160x128xf32, #tpu.memory_space<hbm>> -> memref<128x128xf32, #tpu.memory_space<hbm>>
      %dma_wait3A_68 = arith.constant 0 : i32
      %dma_wait3A_69 = arith.constant 0 : i32
      %dma_wait3A_70 = tpu.memref_slice %arg5[%dma_wait3A_68, %dma_wait3A_69] : memref<348160x128xf32, #tpu.memory_space<hbm>> -> memref<128x128xf32, #tpu.memory_space<hbm>>
      tpu.wait_dma2 semaphore(%arg14 : memref<!tpu.dma_semaphore, #tpu.memory_space<semaphore_mem>>) src(%dma_wait3A_70 : memref<128x128xf32, #tpu.memory_space<hbm>>) dst(%arg12 : memref<128x128xf32, #tpu.memory_space<vmem>>)
      "tpu.region"() ({
        %run_scoped3A = tpu.sem_alloc : memref<!tpu.dma_semaphore, #tpu.memory_space<semaphore_mem>>
        %dma_start3A_71 = arith.constant 0 : i32
        %dma_start3A_72 = arith.constant 0 : i32
        %dma_start3A_73 = tpu.memref_slice %arg15[%dma_start3A_71, %dma_start3A_72] : memref<10240x128xf32, #tpu.memory_space<vmem_shared>> -> memref<10240x128xf32, #tpu.memory_space<vmem_shared>>
        tpu.enqueue_indirect_dma source(%arg12 : memref<128x128xf32, #tpu.memory_space<vmem>>) target(%dma_start3A_73 : memref<10240x128xf32, #tpu.memory_space<vmem_shared>>) offsets(%arg10 : memref<128xi32, #tpu.memory_space<vmem>>) semaphore(%run_scoped3A : memref<!tpu.dma_semaphore, #tpu.memory_space<semaphore_mem>>) {add = true}
        %dma_wait3A_74 = arith.constant 0 : i32
        %dma_wait3A_75 = arith.constant 0 : i32
        %dma_wait3A_76 = tpu.memref_slice %arg15[%dma_wait3A_74, %dma_wait3A_75] : memref<10240x128xf32, #tpu.memory_space<vmem_shared>> -> memref<10240x128xf32, #tpu.memory_space<vmem_shared>>
        tpu.wait_indirect_dma semaphore(%run_scoped3A : memref<!tpu.dma_semaphore, #tpu.memory_space<semaphore_mem>>) src(%arg12 : memref<128x128xf32, #tpu.memory_space<vmem>>) dst(%dma_wait3A_76 : memref<10240x128xf32, #tpu.memory_space<vmem_shared>>)
        tpu.yield
      }) : () -> ()
    }
    %scan3A_16 = arith.constant 40 : i32
    %dma_wait3A = arith.constant 0 : i32
    %dma_wait3A_17 = arith.constant 0 : i32
    %dma_wait3A_18 = tpu.memref_slice %arg5[%dma_wait3A, %dma_wait3A_17] : memref<348160x128xf32, #tpu.memory_space<hbm>> -> memref<128x128xf32, #tpu.memory_space<hbm>>
    %dma_wait3A_19 = arith.constant 0 : i32
    %dma_wait3A_20 = arith.constant 0 : i32
    %dma_wait3A_21 = tpu.memref_slice %arg5[%dma_wait3A_19, %dma_wait3A_20] : memref<348160x128xf32, #tpu.memory_space<hbm>> -> memref<128x128xf32, #tpu.memory_space<hbm>>
    tpu.wait_dma2 semaphore(%arg13 : memref<!tpu.dma_semaphore, #tpu.memory_space<semaphore_mem>>) src(%dma_wait3A_21 : memref<128x128xf32, #tpu.memory_space<hbm>>) dst(%arg11 : memref<128x128xf32, #tpu.memory_space<vmem>>)
    %barrier3A_22 = arith.constant 0 : index
    tpu.barrier barrier_id(%barrier3A_22)
    %mul3A_23 = arith.constant 10240 : i32
    %mul3A_24 = arith.muli %arg0, %mul3A_23 : i32
    %add3A_25 = arith.addi %mul3A_24, %mul3A_0 : i32
    %multiple_of3A_26 = tpu.assume_multiple %add3A_25, 128 : i32
    "tpu.region"() ({
      %run_scoped3A = tpu.sem_alloc : memref<!tpu.dma_semaphore, #tpu.memory_space<semaphore_mem>>
      %dma_start3A_27 = arith.constant 0 : i32
      %dma_start3A_28 = tpu.memref_slice %arg6[%multiple_of3A_26, %dma_start3A_27] : memref<20480x128xf32, #tpu.memory_space<hbm>> -> memref<640x128xf32, #tpu.memory_space<hbm>>
      %dma_start3A_29 = arith.constant 0 : i32
      %dma_start3A_30 = tpu.memref_slice %arg15[%mul3A_0, %dma_start3A_29] : memref<10240x128xf32, #tpu.memory_space<vmem_shared>> -> memref<640x128xf32, #tpu.memory_space<vmem_shared>>
      tpu.enqueue_dma source(%dma_start3A_30 : memref<640x128xf32, #tpu.memory_space<vmem_shared>>) target(%dma_start3A_28 : memref<640x128xf32, #tpu.memory_space<hbm>>) target_semaphore(%run_scoped3A : memref<!tpu.dma_semaphore, #tpu.memory_space<semaphore_mem>>)
      %dma_wait3A_31 = arith.constant 0 : i32
      %dma_wait3A_32 = tpu.memref_slice %arg6[%multiple_of3A_26, %dma_wait3A_31] : memref<20480x128xf32, #tpu.memory_space<hbm>> -> memref<640x128xf32, #tpu.memory_space<hbm>>
      %dma_wait3A_33 = arith.constant 0 : i32
      %dma_wait3A_34 = tpu.memref_slice %arg15[%mul3A_0, %dma_wait3A_33] : memref<10240x128xf32, #tpu.memory_space<vmem_shared>> -> memref<640x128xf32, #tpu.memory_space<vmem_shared>>
      tpu.wait_dma2 semaphore(%run_scoped3A : memref<!tpu.dma_semaphore, #tpu.memory_space<semaphore_mem>>) src(%dma_wait3A_34 : memref<640x128xf32, #tpu.memory_space<vmem_shared>>) dst(%dma_wait3A_32 : memref<640x128xf32, #tpu.memory_space<hbm>>)
      tpu.yield
    }) : () -> ()
    return
  }
}

#map = affine_map<(d0, d1) -> (0)>
#map1 = affine_map<(d0, d1) -> (0, 0)>
module attributes {stable_mosaic.version = 14 : i64} {
  func.func @k(%arg0: i32, %arg1: i32, %arg2: memref<8192xi32, #tpu.memory_space<hbm>>, %arg3: memref<8192xi32, #tpu.memory_space<hbm>>, %arg4: memref<8192xi32, #tpu.memory_space<hbm>>, %arg5: memref<10240x256xf32, #tpu.memory_space<hbm>>, %arg6: memref<16x256xf32, #tpu.memory_space<hbm>>, %arg7: memref<8192x256xf32, #tpu.memory_space<hbm>>, %arg8: memref<8192x256xf32, #tpu.memory_space<hbm>>, %arg9: memref<8192x256xf32, #tpu.memory_space<hbm>>, %arg10: memref<128xi32, #tpu.memory_space<vmem>>, %arg11: memref<128x256xf32, #tpu.memory_space<vmem>>, %arg12: memref<!tpu.dma_semaphore, #tpu.memory_space<semaphore_mem>>) attributes {dimension_semantics = [#tpu.dimension_semantics<core_parallel>, #tpu.dimension_semantics<subcore_parallel>], iteration_bounds = array<i64: 2, 16>, scalar_prefetch = 0 : i64, scratch_operands = 3 : i64, tpu.core_type = #tpu.core_type<sc_vector_subcore>, window_params = [{transform_indices = #map}, {transform_indices = #map}, {transform_indices = #map}, {transform_indices = #map1}, {transform_indices = #map1}, {transform_indices = #map1}, {transform_indices = #map1}, {transform_indices = #map1}]} {
    %mul3A = arith.constant 2 : i32
    %mul3A_0 = arith.muli %arg1, %mul3A : i32
    %add3A = arith.addi %mul3A_0, %arg0 : i32
    %mul3A_1 = arith.constant 256 : i32
    %mul3A_2 = arith.muli %add3A, %mul3A_1 : i32
    %scan3A = arith.constant 0 : i32
    %scan3A_3 = arith.constant 0 : i32
    %scan3A_4 = arith.constant 2 : i32
    %scan3A_5 = arith.addi %scan3A_3, %scan3A_4 : i32
    %scan3A_6 = arith.constant 1 : i32
    scf.for %scan3A_8 = %scan3A_3 to %scan3A_5 step %scan3A_6  : i32 {
      %mul3A_9 = arith.constant 128 : i32
      %mul3A_10 = arith.muli %scan3A_8, %mul3A_9 : i32
      %add3A_11 = arith.addi %mul3A_2, %mul3A_10 : i32
      %multiple_of3A = tpu.assume_multiple %add3A_11, 128 : i32
      "tpu.region"() ({
        %run_scoped3A = tpu.sem_alloc : memref<!tpu.dma_semaphore, #tpu.memory_space<semaphore_mem>>
        %dma_start3A_28 = tpu.memref_slice %arg2[%multiple_of3A] : memref<8192xi32, #tpu.memory_space<hbm>> -> memref<128xi32, #tpu.memory_space<hbm>>
        %dma_start3A_29 = tpu.memref_slice %arg2[%multiple_of3A] : memref<8192xi32, #tpu.memory_space<hbm>> -> memref<128xi32, #tpu.memory_space<hbm>>
        tpu.enqueue_dma source(%dma_start3A_29 : memref<128xi32, #tpu.memory_space<hbm>>) target(%arg10 : memref<128xi32, #tpu.memory_space<vmem>>) target_semaphore(%run_scoped3A : memref<!tpu.dma_semaphore, #tpu.memory_space<semaphore_mem>>)
        %dma_wait3A_30 = tpu.memref_slice %arg2[%multiple_of3A] : memref<8192xi32, #tpu.memory_space<hbm>> -> memref<128xi32, #tpu.memory_space<hbm>>
        %dma_wait3A_31 = tpu.memref_slice %arg2[%multiple_of3A] : memref<8192xi32, #tpu.memory_space<hbm>> -> memref<128xi32, #tpu.memory_space<hbm>>
        tpu.wait_dma2 semaphore(%run_scoped3A : memref<!tpu.dma_semaphore, #tpu.memory_space<semaphore_mem>>) src(%dma_wait3A_31 : memref<128xi32, #tpu.memory_space<hbm>>) dst(%arg10 : memref<128xi32, #tpu.memory_space<vmem>>)
        tpu.yield
      }) : () -> ()
      %dma_start3A = arith.constant 0 : i32
      %dma_start3A_12 = arith.constant 0 : i32
      %dma_start3A_13 = tpu.memref_slice %arg5[%dma_start3A, %dma_start3A_12] : memref<10240x256xf32, #tpu.memory_space<hbm>> -> memref<10240x256xf32, #tpu.memory_space<hbm>>
      tpu.enqueue_indirect_dma source(%dma_start3A_13 : memref<10240x256xf32, #tpu.memory_space<hbm>>) target(%arg11 : memref<128x256xf32, #tpu.memory_space<vmem>>) offsets(%arg10 : memref<128xi32, #tpu.memory_space<vmem>>) semaphore(%arg12 : memref<!tpu.dma_semaphore, #tpu.memory_space<semaphore_mem>>)
      %dma_wait3A = arith.constant 0 : i32
      %dma_wait3A_14 = arith.constant 0 : i32
      %dma_wait3A_15 = tpu.memref_slice %arg5[%dma_wait3A, %dma_wait3A_14] : memref<10240x256xf32, #tpu.memory_space<hbm>> -> memref<10240x256xf32, #tpu.memory_space<hbm>>
      tpu.wait_indirect_dma semaphore(%arg12 : memref<!tpu.dma_semaphore, #tpu.memory_space<semaphore_mem>>) src(%dma_wait3A_15 : memref<10240x256xf32, #tpu.memory_space<hbm>>) dst(%arg11 : memref<128x256xf32, #tpu.memory_space<vmem>>)
      "tpu.region"() ({
        %run_scoped3A = tpu.sem_alloc : memref<!tpu.dma_semaphore, #tpu.memory_space<semaphore_mem>>
        %dma_start3A_28 = arith.constant 0 : i32
        %dma_start3A_29 = tpu.memref_slice %arg7[%multiple_of3A, %dma_start3A_28] : memref<8192x256xf32, #tpu.memory_space<hbm>> -> memref<128x256xf32, #tpu.memory_space<hbm>>
        %dma_start3A_30 = arith.constant 0 : i32
        %dma_start3A_31 = tpu.memref_slice %arg7[%multiple_of3A, %dma_start3A_30] : memref<8192x256xf32, #tpu.memory_space<hbm>> -> memref<128x256xf32, #tpu.memory_space<hbm>>
        tpu.enqueue_dma source(%arg11 : memref<128x256xf32, #tpu.memory_space<vmem>>) target(%dma_start3A_31 : memref<128x256xf32, #tpu.memory_space<hbm>>) target_semaphore(%run_scoped3A : memref<!tpu.dma_semaphore, #tpu.memory_space<semaphore_mem>>)
        %dma_wait3A_32 = arith.constant 0 : i32
        %dma_wait3A_33 = tpu.memref_slice %arg7[%multiple_of3A, %dma_wait3A_32] : memref<8192x256xf32, #tpu.memory_space<hbm>> -> memref<128x256xf32, #tpu.memory_space<hbm>>
        %dma_wait3A_34 = arith.constant 0 : i32
        %dma_wait3A_35 = tpu.memref_slice %arg7[%multiple_of3A, %dma_wait3A_34] : memref<8192x256xf32, #tpu.memory_space<hbm>> -> memref<128x256xf32, #tpu.memory_space<hbm>>
        tpu.wait_dma2 semaphore(%run_scoped3A : memref<!tpu.dma_semaphore, #tpu.memory_space<semaphore_mem>>) src(%arg11 : memref<128x256xf32, #tpu.memory_space<vmem>>) dst(%dma_wait3A_35 : memref<128x256xf32, #tpu.memory_space<hbm>>)
        tpu.yield
      }) : () -> ()
      "tpu.region"() ({
        %run_scoped3A = tpu.sem_alloc : memref<!tpu.dma_semaphore, #tpu.memory_space<semaphore_mem>>
        %dma_start3A_28 = tpu.memref_slice %arg3[%multiple_of3A] : memref<8192xi32, #tpu.memory_space<hbm>> -> memref<128xi32, #tpu.memory_space<hbm>>
        %dma_start3A_29 = tpu.memref_slice %arg3[%multiple_of3A] : memref<8192xi32, #tpu.memory_space<hbm>> -> memref<128xi32, #tpu.memory_space<hbm>>
        tpu.enqueue_dma source(%dma_start3A_29 : memref<128xi32, #tpu.memory_space<hbm>>) target(%arg10 : memref<128xi32, #tpu.memory_space<vmem>>) target_semaphore(%run_scoped3A : memref<!tpu.dma_semaphore, #tpu.memory_space<semaphore_mem>>)
        %dma_wait3A_30 = tpu.memref_slice %arg3[%multiple_of3A] : memref<8192xi32, #tpu.memory_space<hbm>> -> memref<128xi32, #tpu.memory_space<hbm>>
        %dma_wait3A_31 = tpu.memref_slice %arg3[%multiple_of3A] : memref<8192xi32, #tpu.memory_space<hbm>> -> memref<128xi32, #tpu.memory_space<hbm>>
        tpu.wait_dma2 semaphore(%run_scoped3A : memref<!tpu.dma_semaphore, #tpu.memory_space<semaphore_mem>>) src(%dma_wait3A_31 : memref<128xi32, #tpu.memory_space<hbm>>) dst(%arg10 : memref<128xi32, #tpu.memory_space<vmem>>)
        tpu.yield
      }) : () -> ()
      %dma_start3A_16 = arith.constant 0 : i32
      %dma_start3A_17 = arith.constant 0 : i32
      %dma_start3A_18 = tpu.memref_slice %arg5[%dma_start3A_16, %dma_start3A_17] : memref<10240x256xf32, #tpu.memory_space<hbm>> -> memref<10240x256xf32, #tpu.memory_space<hbm>>
      tpu.enqueue_indirect_dma source(%dma_start3A_18 : memref<10240x256xf32, #tpu.memory_space<hbm>>) target(%arg11 : memref<128x256xf32, #tpu.memory_space<vmem>>) offsets(%arg10 : memref<128xi32, #tpu.memory_space<vmem>>) semaphore(%arg12 : memref<!tpu.dma_semaphore, #tpu.memory_space<semaphore_mem>>)
      %dma_wait3A_19 = arith.constant 0 : i32
      %dma_wait3A_20 = arith.constant 0 : i32
      %dma_wait3A_21 = tpu.memref_slice %arg5[%dma_wait3A_19, %dma_wait3A_20] : memref<10240x256xf32, #tpu.memory_space<hbm>> -> memref<10240x256xf32, #tpu.memory_space<hbm>>
      tpu.wait_indirect_dma semaphore(%arg12 : memref<!tpu.dma_semaphore, #tpu.memory_space<semaphore_mem>>) src(%dma_wait3A_21 : memref<10240x256xf32, #tpu.memory_space<hbm>>) dst(%arg11 : memref<128x256xf32, #tpu.memory_space<vmem>>)
      "tpu.region"() ({
        %run_scoped3A = tpu.sem_alloc : memref<!tpu.dma_semaphore, #tpu.memory_space<semaphore_mem>>
        %dma_start3A_28 = arith.constant 0 : i32
        %dma_start3A_29 = tpu.memref_slice %arg8[%multiple_of3A, %dma_start3A_28] : memref<8192x256xf32, #tpu.memory_space<hbm>> -> memref<128x256xf32, #tpu.memory_space<hbm>>
        %dma_start3A_30 = arith.constant 0 : i32
        %dma_start3A_31 = tpu.memref_slice %arg8[%multiple_of3A, %dma_start3A_30] : memref<8192x256xf32, #tpu.memory_space<hbm>> -> memref<128x256xf32, #tpu.memory_space<hbm>>
        tpu.enqueue_dma source(%arg11 : memref<128x256xf32, #tpu.memory_space<vmem>>) target(%dma_start3A_31 : memref<128x256xf32, #tpu.memory_space<hbm>>) target_semaphore(%run_scoped3A : memref<!tpu.dma_semaphore, #tpu.memory_space<semaphore_mem>>)
        %dma_wait3A_32 = arith.constant 0 : i32
        %dma_wait3A_33 = tpu.memref_slice %arg8[%multiple_of3A, %dma_wait3A_32] : memref<8192x256xf32, #tpu.memory_space<hbm>> -> memref<128x256xf32, #tpu.memory_space<hbm>>
        %dma_wait3A_34 = arith.constant 0 : i32
        %dma_wait3A_35 = tpu.memref_slice %arg8[%multiple_of3A, %dma_wait3A_34] : memref<8192x256xf32, #tpu.memory_space<hbm>> -> memref<128x256xf32, #tpu.memory_space<hbm>>
        tpu.wait_dma2 semaphore(%run_scoped3A : memref<!tpu.dma_semaphore, #tpu.memory_space<semaphore_mem>>) src(%arg11 : memref<128x256xf32, #tpu.memory_space<vmem>>) dst(%dma_wait3A_35 : memref<128x256xf32, #tpu.memory_space<hbm>>)
        tpu.yield
      }) : () -> ()
      "tpu.region"() ({
        %run_scoped3A = tpu.sem_alloc : memref<!tpu.dma_semaphore, #tpu.memory_space<semaphore_mem>>
        %dma_start3A_28 = tpu.memref_slice %arg4[%multiple_of3A] : memref<8192xi32, #tpu.memory_space<hbm>> -> memref<128xi32, #tpu.memory_space<hbm>>
        %dma_start3A_29 = tpu.memref_slice %arg4[%multiple_of3A] : memref<8192xi32, #tpu.memory_space<hbm>> -> memref<128xi32, #tpu.memory_space<hbm>>
        tpu.enqueue_dma source(%dma_start3A_29 : memref<128xi32, #tpu.memory_space<hbm>>) target(%arg10 : memref<128xi32, #tpu.memory_space<vmem>>) target_semaphore(%run_scoped3A : memref<!tpu.dma_semaphore, #tpu.memory_space<semaphore_mem>>)
        %dma_wait3A_30 = tpu.memref_slice %arg4[%multiple_of3A] : memref<8192xi32, #tpu.memory_space<hbm>> -> memref<128xi32, #tpu.memory_space<hbm>>
        %dma_wait3A_31 = tpu.memref_slice %arg4[%multiple_of3A] : memref<8192xi32, #tpu.memory_space<hbm>> -> memref<128xi32, #tpu.memory_space<hbm>>
        tpu.wait_dma2 semaphore(%run_scoped3A : memref<!tpu.dma_semaphore, #tpu.memory_space<semaphore_mem>>) src(%dma_wait3A_31 : memref<128xi32, #tpu.memory_space<hbm>>) dst(%arg10 : memref<128xi32, #tpu.memory_space<vmem>>)
        tpu.yield
      }) : () -> ()
      %dma_start3A_22 = arith.constant 0 : i32
      %dma_start3A_23 = arith.constant 0 : i32
      %dma_start3A_24 = tpu.memref_slice %arg6[%dma_start3A_22, %dma_start3A_23] : memref<16x256xf32, #tpu.memory_space<hbm>> -> memref<16x256xf32, #tpu.memory_space<hbm>>
      tpu.enqueue_indirect_dma source(%dma_start3A_24 : memref<16x256xf32, #tpu.memory_space<hbm>>) target(%arg11 : memref<128x256xf32, #tpu.memory_space<vmem>>) offsets(%arg10 : memref<128xi32, #tpu.memory_space<vmem>>) semaphore(%arg12 : memref<!tpu.dma_semaphore, #tpu.memory_space<semaphore_mem>>)
      %dma_wait3A_25 = arith.constant 0 : i32
      %dma_wait3A_26 = arith.constant 0 : i32
      %dma_wait3A_27 = tpu.memref_slice %arg6[%dma_wait3A_25, %dma_wait3A_26] : memref<16x256xf32, #tpu.memory_space<hbm>> -> memref<16x256xf32, #tpu.memory_space<hbm>>
      tpu.wait_indirect_dma semaphore(%arg12 : memref<!tpu.dma_semaphore, #tpu.memory_space<semaphore_mem>>) src(%dma_wait3A_27 : memref<16x256xf32, #tpu.memory_space<hbm>>) dst(%arg11 : memref<128x256xf32, #tpu.memory_space<vmem>>)
      "tpu.region"() ({
        %run_scoped3A = tpu.sem_alloc : memref<!tpu.dma_semaphore, #tpu.memory_space<semaphore_mem>>
        %dma_start3A_28 = arith.constant 0 : i32
        %dma_start3A_29 = tpu.memref_slice %arg9[%multiple_of3A, %dma_start3A_28] : memref<8192x256xf32, #tpu.memory_space<hbm>> -> memref<128x256xf32, #tpu.memory_space<hbm>>
        %dma_start3A_30 = arith.constant 0 : i32
        %dma_start3A_31 = tpu.memref_slice %arg9[%multiple_of3A, %dma_start3A_30] : memref<8192x256xf32, #tpu.memory_space<hbm>> -> memref<128x256xf32, #tpu.memory_space<hbm>>
        tpu.enqueue_dma source(%arg11 : memref<128x256xf32, #tpu.memory_space<vmem>>) target(%dma_start3A_31 : memref<128x256xf32, #tpu.memory_space<hbm>>) target_semaphore(%run_scoped3A : memref<!tpu.dma_semaphore, #tpu.memory_space<semaphore_mem>>)
        %dma_wait3A_32 = arith.constant 0 : i32
        %dma_wait3A_33 = tpu.memref_slice %arg9[%multiple_of3A, %dma_wait3A_32] : memref<8192x256xf32, #tpu.memory_space<hbm>> -> memref<128x256xf32, #tpu.memory_space<hbm>>
        %dma_wait3A_34 = arith.constant 0 : i32
        %dma_wait3A_35 = tpu.memref_slice %arg9[%multiple_of3A, %dma_wait3A_34] : memref<8192x256xf32, #tpu.memory_space<hbm>> -> memref<128x256xf32, #tpu.memory_space<hbm>>
        tpu.wait_dma2 semaphore(%run_scoped3A : memref<!tpu.dma_semaphore, #tpu.memory_space<semaphore_mem>>) src(%arg11 : memref<128x256xf32, #tpu.memory_space<vmem>>) dst(%dma_wait3A_35 : memref<128x256xf32, #tpu.memory_space<hbm>>)
        tpu.yield
      }) : () -> ()
    }
    %scan3A_7 = arith.constant 2 : i32
    return
  }
}

#map = affine_map<(d0, d1) -> (0)>
#map1 = affine_map<(d0, d1) -> (0, 0)>
module attributes {stable_mosaic.version = 14 : i64} {
  func.func @k(%arg0: i32, %arg1: i32, %arg2: memref<327680xi32, #tpu.memory_space<hbm>>, %arg3: memref<163840xi32, #tpu.memory_space<hbm>>, %arg4: memref<640x128xf32, #tpu.memory_space<hbm>>, %arg5: memref<348160x128xf32, #tpu.memory_space<hbm>>, %arg6: memref<20480x128xf32, #tpu.memory_space<hbm>>, %arg7: memref<128xi32, #tpu.memory_space<vmem>>, %arg8: memref<128xi32, #tpu.memory_space<vmem>>, %arg9: memref<128xi32, #tpu.memory_space<vmem>>, %arg10: memref<128xi32, #tpu.memory_space<vmem>>, %arg11: memref<128x128xf32, #tpu.memory_space<vmem>>, %arg12: memref<128x128xf32, #tpu.memory_space<vmem>>, %arg13: memref<!tpu.dma_semaphore, #tpu.memory_space<semaphore_mem>>, %arg14: memref<!tpu.dma_semaphore, #tpu.memory_space<semaphore_mem>>, %arg15: memref<10240x128xf32, #tpu.memory_space<vmem_shared>>) attributes {dimension_semantics = [#tpu.dimension_semantics<core_parallel>, #tpu.dimension_semantics<subcore_parallel>], iteration_bounds = array<i64: 2, 16>, scalar_prefetch = 0 : i64, scratch_operands = 9 : i64, tpu.core_type = #tpu.core_type<sc_vector_subcore>, window_params = [{transform_indices = #map}, {transform_indices = #map}, {transform_indices = #map1}, {transform_indices = #map1}, {transform_indices = #map1}]} {
    %mul3A = arith.constant 640 : i32
    %mul3A_0 = arith.muli %arg1, %mul3A : i32
    "tpu.region"() ({
      %run_scoped3A = tpu.sem_alloc : memref<!tpu.dma_semaphore, #tpu.memory_space<semaphore_mem>>
      %dma_start3A_27 = arith.constant 0 : i32
      %dma_start3A_28 = tpu.memref_slice %arg15[%mul3A_0, %dma_start3A_27] : memref<10240x128xf32, #tpu.memory_space<vmem_shared>> -> memref<640x128xf32, #tpu.memory_space<vmem_shared>>
      tpu.enqueue_dma source(%arg4 : memref<640x128xf32, #tpu.memory_space<hbm>>) target(%dma_start3A_28 : memref<640x128xf32, #tpu.memory_space<vmem_shared>>) target_semaphore(%run_scoped3A : memref<!tpu.dma_semaphore, #tpu.memory_space<semaphore_mem>>)
      %dma_wait3A_29 = arith.constant 0 : i32
      %dma_wait3A_30 = tpu.memref_slice %arg15[%mul3A_0, %dma_wait3A_29] : memref<10240x128xf32, #tpu.memory_space<vmem_shared>> -> memref<640x128xf32, #tpu.memory_space<vmem_shared>>
      tpu.wait_dma2 semaphore(%run_scoped3A : memref<!tpu.dma_semaphore, #tpu.memory_space<semaphore_mem>>) src(%arg4 : memref<640x128xf32, #tpu.memory_space<hbm>>) dst(%dma_wait3A_30 : memref<640x128xf32, #tpu.memory_space<vmem_shared>>)
      tpu.yield
    }) : () -> ()
    %barrier3A = arith.constant 0 : index
    tpu.barrier barrier_id(%barrier3A)
    %mul3A_1 = arith.constant 10240 : i32
    %mul3A_2 = arith.muli %arg1, %mul3A_1 : i32
    %mul3A_3 = arith.constant 163840 : i32
    %mul3A_4 = arith.muli %arg0, %mul3A_3 : i32
    %add3A = arith.addi %mul3A_4, %mul3A_2 : i32
    %add3A_5 = arith.constant 0 : i32
    %add3A_6 = arith.addi %add3A, %add3A_5 : i32
    %multiple_of3A = tpu.assume_multiple %add3A_6, 128 : i32
    %add3A_7 = arith.constant 0 : i32
    %add3A_8 = arith.addi %mul3A_2, %add3A_7 : i32
    %multiple_of3A_9 = tpu.assume_multiple %add3A_8, 128 : i32
    "tpu.region"() ({
      %run_scoped3A = tpu.sem_alloc : memref<!tpu.dma_semaphore, #tpu.memory_space<semaphore_mem>>
      %dma_start3A_27 = tpu.memref_slice %arg2[%multiple_of3A] : memref<327680xi32, #tpu.memory_space<hbm>> -> memref<128xi32, #tpu.memory_space<hbm>>
      %dma_start3A_28 = tpu.memref_slice %arg2[%multiple_of3A] : memref<327680xi32, #tpu.memory_space<hbm>> -> memref<128xi32, #tpu.memory_space<hbm>>
      tpu.enqueue_dma source(%dma_start3A_28 : memref<128xi32, #tpu.memory_space<hbm>>) target(%arg7 : memref<128xi32, #tpu.memory_space<vmem>>) target_semaphore(%run_scoped3A : memref<!tpu.dma_semaphore, #tpu.memory_space<semaphore_mem>>)
      %dma_wait3A_29 = tpu.memref_slice %arg2[%multiple_of3A] : memref<327680xi32, #tpu.memory_space<hbm>> -> memref<128xi32, #tpu.memory_space<hbm>>
      %dma_wait3A_30 = tpu.memref_slice %arg2[%multiple_of3A] : memref<327680xi32, #tpu.memory_space<hbm>> -> memref<128xi32, #tpu.memory_space<hbm>>
      tpu.wait_dma2 semaphore(%run_scoped3A : memref<!tpu.dma_semaphore, #tpu.memory_space<semaphore_mem>>) src(%dma_wait3A_30 : memref<128xi32, #tpu.memory_space<hbm>>) dst(%arg7 : memref<128xi32, #tpu.memory_space<vmem>>)
      tpu.yield
    }) : () -> ()
    "tpu.region"() ({
      %run_scoped3A = tpu.sem_alloc : memref<!tpu.dma_semaphore, #tpu.memory_space<semaphore_mem>>
      %dma_start3A_27 = tpu.memref_slice %arg3[%multiple_of3A_9] : memref<163840xi32, #tpu.memory_space<hbm>> -> memref<128xi32, #tpu.memory_space<hbm>>
      %dma_start3A_28 = tpu.memref_slice %arg3[%multiple_of3A_9] : memref<163840xi32, #tpu.memory_space<hbm>> -> memref<128xi32, #tpu.memory_space<hbm>>
      tpu.enqueue_dma source(%dma_start3A_28 : memref<128xi32, #tpu.memory_space<hbm>>) target(%arg9 : memref<128xi32, #tpu.memory_space<vmem>>) target_semaphore(%run_scoped3A : memref<!tpu.dma_semaphore, #tpu.memory_space<semaphore_mem>>)
      %dma_wait3A_29 = tpu.memref_slice %arg3[%multiple_of3A_9] : memref<163840xi32, #tpu.memory_space<hbm>> -> memref<128xi32, #tpu.memory_space<hbm>>
      %dma_wait3A_30 = tpu.memref_slice %arg3[%multiple_of3A_9] : memref<163840xi32, #tpu.memory_space<hbm>> -> memref<128xi32, #tpu.memory_space<hbm>>
      tpu.wait_dma2 semaphore(%run_scoped3A : memref<!tpu.dma_semaphore, #tpu.memory_space<semaphore_mem>>) src(%dma_wait3A_30 : memref<128xi32, #tpu.memory_space<hbm>>) dst(%arg9 : memref<128xi32, #tpu.memory_space<vmem>>)
      tpu.yield
    }) : () -> ()
    %dma_start3A = arith.constant 0 : i32
    %dma_start3A_10 = arith.constant 0 : i32
    %dma_start3A_11 = tpu.memref_slice %arg5[%dma_start3A, %dma_start3A_10] : memref<348160x128xf32, #tpu.memory_space<hbm>> -> memref<348160x128xf32, #tpu.memory_space<hbm>>
    tpu.enqueue_indirect_dma source(%dma_start3A_11 : memref<348160x128xf32, #tpu.memory_space<hbm>>) target(%arg11 : memref<128x128xf32, #tpu.memory_space<vmem>>) offsets(%arg7 : memref<128xi32, #tpu.memory_space<vmem>>) semaphore(%arg13 : memref<!tpu.dma_semaphore, #tpu.memory_space<semaphore_mem>>)
    %scan3A = arith.constant 0 : i32
    %scan3A_12 = arith.constant 0 : i32
    %scan3A_13 = arith.constant 40 : i32
    %scan3A_14 = arith.addi %scan3A_12, %scan3A_13 : i32
    %scan3A_15 = arith.constant 1 : i32
    scf.for %scan3A_27 = %scan3A_12 to %scan3A_14 step %scan3A_15  : i32 {
      %mul3A_28 = arith.constant 2 : i32
      %mul3A_29 = arith.muli %mul3A_28, %scan3A_27 : i32
      %add3A_30 = arith.constant 1 : i32
      %add3A_31 = arith.addi %mul3A_29, %add3A_30 : i32
      %mul3A_32 = arith.constant 128 : i32
      %mul3A_33 = arith.muli %add3A_31, %mul3A_32 : i32
      %add3A_34 = arith.addi %add3A, %mul3A_33 : i32
      %multiple_of3A_35 = tpu.assume_multiple %add3A_34, 128 : i32
      %mul3A_36 = arith.constant 128 : i32
      %mul3A_37 = arith.muli %add3A_31, %mul3A_36 : i32
      %add3A_38 = arith.addi %mul3A_2, %mul3A_37 : i32
      %multiple_of3A_39 = tpu.assume_multiple %add3A_38, 128 : i32
      "tpu.region"() ({
        %run_scoped3A = tpu.sem_alloc : memref<!tpu.dma_semaphore, #tpu.memory_space<semaphore_mem>>
        %dma_start3A_71 = tpu.memref_slice %arg2[%multiple_of3A_35] : memref<327680xi32, #tpu.memory_space<hbm>> -> memref<128xi32, #tpu.memory_space<hbm>>
        %dma_start3A_72 = tpu.memref_slice %arg2[%multiple_of3A_35] : memref<327680xi32, #tpu.memory_space<hbm>> -> memref<128xi32, #tpu.memory_space<hbm>>
        tpu.enqueue_dma source(%dma_start3A_72 : memref<128xi32, #tpu.memory_space<hbm>>) target(%arg8 : memref<128xi32, #tpu.memory_space<vmem>>) target_semaphore(%run_scoped3A : memref<!tpu.dma_semaphore, #tpu.memory_space<semaphore_mem>>)
        %dma_wait3A_73 = tpu.memref_slice %arg2[%multiple_of3A_35] : memref<327680xi32, #tpu.memory_space<hbm>> -> memref<128xi32, #tpu.memory_space<hbm>>
        %dma_wait3A_74 = tpu.memref_slice %arg2[%multiple_of3A_35] : memref<327680xi32, #tpu.memory_space<hbm>> -> memref<128xi32, #tpu.memory_space<hbm>>
        tpu.wait_dma2 semaphore(%run_scoped3A : memref<!tpu.dma_semaphore, #tpu.memory_space<semaphore_mem>>) src(%dma_wait3A_74 : memref<128xi32, #tpu.memory_space<hbm>>) dst(%arg8 : memref<128xi32, #tpu.memory_space<vmem>>)
        tpu.yield
      }) : () -> ()
      "tpu.region"() ({
        %run_scoped3A = tpu.sem_alloc : memref<!tpu.dma_semaphore, #tpu.memory_space<semaphore_mem>>
        %dma_start3A_71 = tpu.memref_slice %arg3[%multiple_of3A_39] : memref<163840xi32, #tpu.memory_space<hbm>> -> memref<128xi32, #tpu.memory_space<hbm>>
        %dma_start3A_72 = tpu.memref_slice %arg3[%multiple_of3A_39] : memref<163840xi32, #tpu.memory_space<hbm>> -> memref<128xi32, #tpu.memory_space<hbm>>
        tpu.enqueue_dma source(%dma_start3A_72 : memref<128xi32, #tpu.memory_space<hbm>>) target(%arg10 : memref<128xi32, #tpu.memory_space<vmem>>) target_semaphore(%run_scoped3A : memref<!tpu.dma_semaphore, #tpu.memory_space<semaphore_mem>>)
        %dma_wait3A_73 = tpu.memref_slice %arg3[%multiple_of3A_39] : memref<163840xi32, #tpu.memory_space<hbm>> -> memref<128xi32, #tpu.memory_space<hbm>>
        %dma_wait3A_74 = tpu.memref_slice %arg3[%multiple_of3A_39] : memref<163840xi32, #tpu.memory_space<hbm>> -> memref<128xi32, #tpu.memory_space<hbm>>
        tpu.wait_dma2 semaphore(%run_scoped3A : memref<!tpu.dma_semaphore, #tpu.memory_space<semaphore_mem>>) src(%dma_wait3A_74 : memref<128xi32, #tpu.memory_space<hbm>>) dst(%arg10 : memref<128xi32, #tpu.memory_space<vmem>>)
        tpu.yield
      }) : () -> ()
      %dma_start3A_40 = arith.constant 0 : i32
      %dma_start3A_41 = arith.constant 0 : i32
      %dma_start3A_42 = tpu.memref_slice %arg5[%dma_start3A_40, %dma_start3A_41] : memref<348160x128xf32, #tpu.memory_space<hbm>> -> memref<348160x128xf32, #tpu.memory_space<hbm>>
      tpu.enqueue_indirect_dma source(%dma_start3A_42 : memref<348160x128xf32, #tpu.memory_space<hbm>>) target(%arg12 : memref<128x128xf32, #tpu.memory_space<vmem>>) offsets(%arg8 : memref<128xi32, #tpu.memory_space<vmem>>) semaphore(%arg14 : memref<!tpu.dma_semaphore, #tpu.memory_space<semaphore_mem>>)
      %dma_wait3A_43 = arith.constant 0 : i32
      %dma_wait3A_44 = arith.constant 0 : i32
      %dma_wait3A_45 = tpu.memref_slice %arg5[%dma_wait3A_43, %dma_wait3A_44] : memref<348160x128xf32, #tpu.memory_space<hbm>> -> memref<128x128xf32, #tpu.memory_space<hbm>>
      %dma_wait3A_46 = arith.constant 0 : i32
      %dma_wait3A_47 = arith.constant 0 : i32
      %dma_wait3A_48 = tpu.memref_slice %arg5[%dma_wait3A_46, %dma_wait3A_47] : memref<348160x128xf32, #tpu.memory_space<hbm>> -> memref<128x128xf32, #tpu.memory_space<hbm>>
      tpu.wait_dma2 semaphore(%arg13 : memref<!tpu.dma_semaphore, #tpu.memory_space<semaphore_mem>>) src(%dma_wait3A_48 : memref<128x128xf32, #tpu.memory_space<hbm>>) dst(%arg11 : memref<128x128xf32, #tpu.memory_space<vmem>>)
      "tpu.region"() ({
        %run_scoped3A = tpu.sem_alloc : memref<!tpu.dma_semaphore, #tpu.memory_space<semaphore_mem>>
        %dma_start3A_71 = arith.constant 0 : i32
        %dma_start3A_72 = arith.constant 0 : i32
        %dma_start3A_73 = tpu.memref_slice %arg15[%dma_start3A_71, %dma_start3A_72] : memref<10240x128xf32, #tpu.memory_space<vmem_shared>> -> memref<10240x128xf32, #tpu.memory_space<vmem_shared>>
        tpu.enqueue_indirect_dma source(%arg11 : memref<128x128xf32, #tpu.memory_space<vmem>>) target(%dma_start3A_73 : memref<10240x128xf32, #tpu.memory_space<vmem_shared>>) offsets(%arg9 : memref<128xi32, #tpu.memory_space<vmem>>) semaphore(%run_scoped3A : memref<!tpu.dma_semaphore, #tpu.memory_space<semaphore_mem>>) {add = true}
        %dma_wait3A_74 = arith.constant 0 : i32
        %dma_wait3A_75 = arith.constant 0 : i32
        %dma_wait3A_76 = tpu.memref_slice %arg15[%dma_wait3A_74, %dma_wait3A_75] : memref<10240x128xf32, #tpu.memory_space<vmem_shared>> -> memref<10240x128xf32, #tpu.memory_space<vmem_shared>>
        tpu.wait_indirect_dma semaphore(%run_scoped3A : memref<!tpu.dma_semaphore, #tpu.memory_space<semaphore_mem>>) src(%arg11 : memref<128x128xf32, #tpu.memory_space<vmem>>) dst(%dma_wait3A_76 : memref<10240x128xf32, #tpu.memory_space<vmem_shared>>)
        tpu.yield
      }) : () -> ()
      %eq3A = arith.constant 39 : i32
      %eq3A_49 = arith.cmpi eq, %scan3A_27, %eq3A : i32
      %mul3A_50 = arith.constant 2 : i32
      %mul3A_51 = arith.muli %mul3A_50, %scan3A_27 : i32
      %add3A_52 = arith.constant 2 : i32
      %add3A_53 = arith.addi %mul3A_51, %add3A_52 : i32
      %jit3A = arith.constant 0 : i32
      %select_n3A = arith.select %eq3A_49, %jit3A, %add3A_53 : i32
      %mul3A_54 = arith.constant 128 : i32
      %mul3A_55 = arith.muli %select_n3A, %mul3A_54 : i32
      %add3A_56 = arith.addi %add3A, %mul3A_55 : i32
      %multiple_of3A_57 = tpu.assume_multiple %add3A_56, 128 : i32
      %mul3A_58 = arith.constant 128 : i32
      %mul3A_59 = arith.muli %select_n3A, %mul3A_58 : i32
      %add3A_60 = arith.addi %mul3A_2, %mul3A_59 : i32
      %multiple_of3A_61 = tpu.assume_multiple %add3A_60, 128 : i32
      "tpu.region"() ({
        %run_scoped3A = tpu.sem_alloc : memref<!tpu.dma_semaphore, #tpu.memory_space<semaphore_mem>>
        %dma_start3A_71 = tpu.memref_slice %arg2[%multiple_of3A_57] : memref<327680xi32, #tpu.memory_space<hbm>> -> memref<128xi32, #tpu.memory_space<hbm>>
        %dma_start3A_72 = tpu.memref_slice %arg2[%multiple_of3A_57] : memref<327680xi32, #tpu.memory_space<hbm>> -> memref<128xi32, #tpu.memory_space<hbm>>
        tpu.enqueue_dma source(%dma_start3A_72 : memref<128xi32, #tpu.memory_space<hbm>>) target(%arg7 : memref<128xi32, #tpu.memory_space<vmem>>) target_semaphore(%run_scoped3A : memref<!tpu.dma_semaphore, #tpu.memory_space<semaphore_mem>>)
        %dma_wait3A_73 = tpu.memref_slice %arg2[%multiple_of3A_57] : memref<327680xi32, #tpu.memory_space<hbm>> -> memref<128xi32, #tpu.memory_space<hbm>>
        %dma_wait3A_74 = tpu.memref_slice %arg2[%multiple_of3A_57] : memref<327680xi32, #tpu.memory_space<hbm>> -> memref<128xi32, #tpu.memory_space<hbm>>
        tpu.wait_dma2 semaphore(%run_scoped3A : memref<!tpu.dma_semaphore, #tpu.memory_space<semaphore_mem>>) src(%dma_wait3A_74 : memref<128xi32, #tpu.memory_space<hbm>>) dst(%arg7 : memref<128xi32, #tpu.memory_space<vmem>>)
        tpu.yield
      }) : () -> ()
      "tpu.region"() ({
        %run_scoped3A = tpu.sem_alloc : memref<!tpu.dma_semaphore, #tpu.memory_space<semaphore_mem>>
        %dma_start3A_71 = tpu.memref_slice %arg3[%multiple_of3A_61] : memref<163840xi32, #tpu.memory_space<hbm>> -> memref<128xi32, #tpu.memory_space<hbm>>
        %dma_start3A_72 = tpu.memref_slice %arg3[%multiple_of3A_61] : memref<163840xi32, #tpu.memory_space<hbm>> -> memref<128xi32, #tpu.memory_space<hbm>>
        tpu.enqueue_dma source(%dma_start3A_72 : memref<128xi32, #tpu.memory_space<hbm>>) target(%arg9 : memref<128xi32, #tpu.memory_space<vmem>>) target_semaphore(%run_scoped3A : memref<!tpu.dma_semaphore, #tpu.memory_space<semaphore_mem>>)
        %dma_wait3A_73 = tpu.memref_slice %arg3[%multiple_of3A_61] : memref<163840xi32, #tpu.memory_space<hbm>> -> memref<128xi32, #tpu.memory_space<hbm>>
        %dma_wait3A_74 = tpu.memref_slice %arg3[%multiple_of3A_61] : memref<163840xi32, #tpu.memory_space<hbm>> -> memref<128xi32, #tpu.memory_space<hbm>>
        tpu.wait_dma2 semaphore(%run_scoped3A : memref<!tpu.dma_semaphore, #tpu.memory_space<semaphore_mem>>) src(%dma_wait3A_74 : memref<128xi32, #tpu.memory_space<hbm>>) dst(%arg9 : memref<128xi32, #tpu.memory_space<vmem>>)
        tpu.yield
      }) : () -> ()
      %dma_start3A_62 = arith.constant 0 : i32
      %dma_start3A_63 = arith.constant 0 : i32
      %dma_start3A_64 = tpu.memref_slice %arg5[%dma_start3A_62, %dma_start3A_63] : memref<348160x128xf32, #tpu.memory_space<hbm>> -> memref<348160x128xf32, #tpu.memory_space<hbm>>
      tpu.enqueue_indirect_dma source(%dma_start3A_64 : memref<348160x128xf32, #tpu.memory_space<hbm>>) target(%arg11 : memref<128x128xf32, #tpu.memory_space<vmem>>) offsets(%arg7 : memref<128xi32, #tpu.memory_space<vmem>>) semaphore(%arg13 : memref<!tpu.dma_semaphore, #tpu.memory_space<semaphore_mem>>)
      %dma_wait3A_65 = arith.constant 0 : i32
      %dma_wait3A_66 = arith.constant 0 : i32
      %dma_wait3A_67 = tpu.memref_slice %arg5[%dma_wait3A_65, %dma_wait3A_66] : memref<348160x128xf32, #tpu.memory_space<hbm>> -> memref<128x128xf32, #tpu.memory_space<hbm>>
      %dma_wait3A_68 = arith.constant 0 : i32
      %dma_wait3A_69 = arith.constant 0 : i32
      %dma_wait3A_70 = tpu.memref_slice %arg5[%dma_wait3A_68, %dma_wait3A_69] : memref<348160x128xf32, #tpu.memory_space<hbm>> -> memref<128x128xf32, #tpu.memory_space<hbm>>
      tpu.wait_dma2 semaphore(%arg14 : memref<!tpu.dma_semaphore, #tpu.memory_space<semaphore_mem>>) src(%dma_wait3A_70 : memref<128x128xf32, #tpu.memory_space<hbm>>) dst(%arg12 : memref<128x128xf32, #tpu.memory_space<vmem>>)
      "tpu.region"() ({
        %run_scoped3A = tpu.sem_alloc : memref<!tpu.dma_semaphore, #tpu.memory_space<semaphore_mem>>
        %dma_start3A_71 = arith.constant 0 : i32
        %dma_start3A_72 = arith.constant 0 : i32
        %dma_start3A_73 = tpu.memref_slice %arg15[%dma_start3A_71, %dma_start3A_72] : memref<10240x128xf32, #tpu.memory_space<vmem_shared>> -> memref<10240x128xf32, #tpu.memory_space<vmem_shared>>
        tpu.enqueue_indirect_dma source(%arg12 : memref<128x128xf32, #tpu.memory_space<vmem>>) target(%dma_start3A_73 : memref<10240x128xf32, #tpu.memory_space<vmem_shared>>) offsets(%arg10 : memref<128xi32, #tpu.memory_space<vmem>>) semaphore(%run_scoped3A : memref<!tpu.dma_semaphore, #tpu.memory_space<semaphore_mem>>) {add = true}
        %dma_wait3A_74 = arith.constant 0 : i32
        %dma_wait3A_75 = arith.constant 0 : i32
        %dma_wait3A_76 = tpu.memref_slice %arg15[%dma_wait3A_74, %dma_wait3A_75] : memref<10240x128xf32, #tpu.memory_space<vmem_shared>> -> memref<10240x128xf32, #tpu.memory_space<vmem_shared>>
        tpu.wait_indirect_dma semaphore(%run_scoped3A : memref<!tpu.dma_semaphore, #tpu.memory_space<semaphore_mem>>) src(%arg12 : memref<128x128xf32, #tpu.memory_space<vmem>>) dst(%dma_wait3A_76 : memref<10240x128xf32, #tpu.memory_space<vmem_shared>>)
        tpu.yield
      }) : () -> ()
    }
    %scan3A_16 = arith.constant 40 : i32
    %dma_wait3A = arith.constant 0 : i32
    %dma_wait3A_17 = arith.constant 0 : i32
    %dma_wait3A_18 = tpu.memref_slice %arg5[%dma_wait3A, %dma_wait3A_17] : memref<348160x128xf32, #tpu.memory_space<hbm>> -> memref<128x128xf32, #tpu.memory_space<hbm>>
    %dma_wait3A_19 = arith.constant 0 : i32
    %dma_wait3A_20 = arith.constant 0 : i32
    %dma_wait3A_21 = tpu.memref_slice %arg5[%dma_wait3A_19, %dma_wait3A_20] : memref<348160x128xf32, #tpu.memory_space<hbm>> -> memref<128x128xf32, #tpu.memory_space<hbm>>
    tpu.wait_dma2 semaphore(%arg13 : memref<!tpu.dma_semaphore, #tpu.memory_space<semaphore_mem>>) src(%dma_wait3A_21 : memref<128x128xf32, #tpu.memory_space<hbm>>) dst(%arg11 : memref<128x128xf32, #tpu.memory_space<vmem>>)
    %barrier3A_22 = arith.constant 0 : index
    tpu.barrier barrier_id(%barrier3A_22)
    %mul3A_23 = arith.constant 10240 : i32
    %mul3A_24 = arith.muli %arg0, %mul3A_23 : i32
    %add3A_25 = arith.addi %mul3A_24, %mul3A_0 : i32
    %multiple_of3A_26 = tpu.assume_multiple %add3A_25, 128 : i32
    "tpu.region"() ({
      %run_scoped3A = tpu.sem_alloc : memref<!tpu.dma_semaphore, #tpu.memory_space<semaphore_mem>>
      %dma_start3A_27 = arith.constant 0 : i32
      %dma_start3A_28 = tpu.memref_slice %arg6[%multiple_of3A_26, %dma_start3A_27] : memref<20480x128xf32, #tpu.memory_space<hbm>> -> memref<640x128xf32, #tpu.memory_space<hbm>>
      %dma_start3A_29 = arith.constant 0 : i32
      %dma_start3A_30 = tpu.memref_slice %arg15[%mul3A_0, %dma_start3A_29] : memref<10240x128xf32, #tpu.memory_space<vmem_shared>> -> memref<640x128xf32, #tpu.memory_space<vmem_shared>>
      tpu.enqueue_dma source(%dma_start3A_30 : memref<640x128xf32, #tpu.memory_space<vmem_shared>>) target(%dma_start3A_28 : memref<640x128xf32, #tpu.memory_space<hbm>>) target_semaphore(%run_scoped3A : memref<!tpu.dma_semaphore, #tpu.memory_space<semaphore_mem>>)
      %dma_wait3A_31 = arith.constant 0 : i32
      %dma_wait3A_32 = tpu.memref_slice %arg6[%multiple_of3A_26, %dma_wait3A_31] : memref<20480x128xf32, #tpu.memory_space<hbm>> -> memref<640x128xf32, #tpu.memory_space<hbm>>
      %dma_wait3A_33 = arith.constant 0 : i32
      %dma_wait3A_34 = tpu.memref_slice %arg15[%mul3A_0, %dma_wait3A_33] : memref<10240x128xf32, #tpu.memory_space<vmem_shared>> -> memref<640x128xf32, #tpu.memory_space<vmem_shared>>
      tpu.wait_dma2 semaphore(%run_scoped3A : memref<!tpu.dma_semaphore, #tpu.memory_space<semaphore_mem>>) src(%dma_wait3A_34 : memref<640x128xf32, #tpu.memory_space<vmem_shared>>) dst(%dma_wait3A_32 : memref<640x128xf32, #tpu.memory_space<hbm>>)
      tpu.yield
    }) : () -> ()
    return
  }
}

module attributes {stable_mosaic.version = 14 : i64} {
  func.func @_mixw_body(%arg0: i32, %arg1: memref<16x8xf32, #tpu.memory_space<smem>>, %arg2: memref<8x256x256xf32, #tpu.memory_space<vmem>>, %arg3: memref<256x256xf32, #tpu.memory_space<vmem>>) attributes {dimension_semantics = [#tpu.dimension_semantics<arbitrary>], iteration_bounds = array<i64: 16>, scalar_prefetch = 0 : i64, scratch_operands = 0 : i64, tpu.core_type = #tpu.core_type<tc>, window_params = [{transform_indices = @transform_0, window_bounds = array<i64: 16, 8>}, {pipeline_mode = #tpu.pipeline_mode<synchronous>, transform_indices = @transform_1, window_bounds = array<i64: 8, 256, 256>}, {transform_indices = @transform_2, window_bounds = array<i64: 256, 256>}]} {
    %get3A = arith.constant 0 : index
    %get3A_0 = arith.constant 0 : index
    %get3A_1 = arith.constant 0 : index
    %get3A_2 = vector.load %arg2[%get3A, %get3A_0, %get3A_1] : memref<8x256x256xf32, #tpu.memory_space<vmem>>, vector<1x256x256xf32>
    %get3A_3 = vector.shape_cast %get3A_2 : vector<1x256x256xf32> to vector<256x256xf32>
    %get3A_4 = arith.index_cast %arg0 : i32 to index
    %get3A_5 = arith.constant 0 : index
    %get3A_6 = memref.load %arg1[%get3A_4, %get3A_5] : memref<16x8xf32, #tpu.memory_space<smem>>
    %mul3A = vector.broadcast %get3A_6 : f32 to vector<256x256xf32>
    %mul3A_7 = arith.mulf %get3A_3, %mul3A : vector<256x256xf32>
    %get3A_8 = arith.constant 1 : index
    %get3A_9 = arith.constant 0 : index
    %get3A_10 = arith.constant 0 : index
    %get3A_11 = vector.load %arg2[%get3A_8, %get3A_9, %get3A_10] : memref<8x256x256xf32, #tpu.memory_space<vmem>>, vector<1x256x256xf32>
    %get3A_12 = vector.shape_cast %get3A_11 : vector<1x256x256xf32> to vector<256x256xf32>
    %get3A_13 = arith.index_cast %arg0 : i32 to index
    %get3A_14 = arith.constant 1 : index
    %get3A_15 = memref.load %arg1[%get3A_13, %get3A_14] : memref<16x8xf32, #tpu.memory_space<smem>>
    %mul3A_16 = vector.broadcast %get3A_15 : f32 to vector<256x256xf32>
    %mul3A_17 = arith.mulf %get3A_12, %mul3A_16 : vector<256x256xf32>
    %add3A = arith.addf %mul3A_7, %mul3A_17 : vector<256x256xf32>
    %get3A_18 = arith.constant 2 : index
    %get3A_19 = arith.constant 0 : index
    %get3A_20 = arith.constant 0 : index
    %get3A_21 = vector.load %arg2[%get3A_18, %get3A_19, %get3A_20] : memref<8x256x256xf32, #tpu.memory_space<vmem>>, vector<1x256x256xf32>
    %get3A_22 = vector.shape_cast %get3A_21 : vector<1x256x256xf32> to vector<256x256xf32>
    %get3A_23 = arith.index_cast %arg0 : i32 to index
    %get3A_24 = arith.constant 2 : index
    %get3A_25 = memref.load %arg1[%get3A_23, %get3A_24] : memref<16x8xf32, #tpu.memory_space<smem>>
    %mul3A_26 = vector.broadcast %get3A_25 : f32 to vector<256x256xf32>
    %mul3A_27 = arith.mulf %get3A_22, %mul3A_26 : vector<256x256xf32>
    %add3A_28 = arith.addf %add3A, %mul3A_27 : vector<256x256xf32>
    %get3A_29 = arith.constant 3 : index
    %get3A_30 = arith.constant 0 : index
    %get3A_31 = arith.constant 0 : index
    %get3A_32 = vector.load %arg2[%get3A_29, %get3A_30, %get3A_31] : memref<8x256x256xf32, #tpu.memory_space<vmem>>, vector<1x256x256xf32>
    %get3A_33 = vector.shape_cast %get3A_32 : vector<1x256x256xf32> to vector<256x256xf32>
    %get3A_34 = arith.index_cast %arg0 : i32 to index
    %get3A_35 = arith.constant 3 : index
    %get3A_36 = memref.load %arg1[%get3A_34, %get3A_35] : memref<16x8xf32, #tpu.memory_space<smem>>
    %mul3A_37 = vector.broadcast %get3A_36 : f32 to vector<256x256xf32>
    %mul3A_38 = arith.mulf %get3A_33, %mul3A_37 : vector<256x256xf32>
    %add3A_39 = arith.addf %add3A_28, %mul3A_38 : vector<256x256xf32>
    %get3A_40 = arith.constant 4 : index
    %get3A_41 = arith.constant 0 : index
    %get3A_42 = arith.constant 0 : index
    %get3A_43 = vector.load %arg2[%get3A_40, %get3A_41, %get3A_42] : memref<8x256x256xf32, #tpu.memory_space<vmem>>, vector<1x256x256xf32>
    %get3A_44 = vector.shape_cast %get3A_43 : vector<1x256x256xf32> to vector<256x256xf32>
    %get3A_45 = arith.index_cast %arg0 : i32 to index
    %get3A_46 = arith.constant 4 : index
    %get3A_47 = memref.load %arg1[%get3A_45, %get3A_46] : memref<16x8xf32, #tpu.memory_space<smem>>
    %mul3A_48 = vector.broadcast %get3A_47 : f32 to vector<256x256xf32>
    %mul3A_49 = arith.mulf %get3A_44, %mul3A_48 : vector<256x256xf32>
    %add3A_50 = arith.addf %add3A_39, %mul3A_49 : vector<256x256xf32>
    %get3A_51 = arith.constant 5 : index
    %get3A_52 = arith.constant 0 : index
    %get3A_53 = arith.constant 0 : index
    %get3A_54 = vector.load %arg2[%get3A_51, %get3A_52, %get3A_53] : memref<8x256x256xf32, #tpu.memory_space<vmem>>, vector<1x256x256xf32>
    %get3A_55 = vector.shape_cast %get3A_54 : vector<1x256x256xf32> to vector<256x256xf32>
    %get3A_56 = arith.index_cast %arg0 : i32 to index
    %get3A_57 = arith.constant 5 : index
    %get3A_58 = memref.load %arg1[%get3A_56, %get3A_57] : memref<16x8xf32, #tpu.memory_space<smem>>
    %mul3A_59 = vector.broadcast %get3A_58 : f32 to vector<256x256xf32>
    %mul3A_60 = arith.mulf %get3A_55, %mul3A_59 : vector<256x256xf32>
    %add3A_61 = arith.addf %add3A_50, %mul3A_60 : vector<256x256xf32>
    %get3A_62 = arith.constant 6 : index
    %get3A_63 = arith.constant 0 : index
    %get3A_64 = arith.constant 0 : index
    %get3A_65 = vector.load %arg2[%get3A_62, %get3A_63, %get3A_64] : memref<8x256x256xf32, #tpu.memory_space<vmem>>, vector<1x256x256xf32>
    %get3A_66 = vector.shape_cast %get3A_65 : vector<1x256x256xf32> to vector<256x256xf32>
    %get3A_67 = arith.index_cast %arg0 : i32 to index
    %get3A_68 = arith.constant 6 : index
    %get3A_69 = memref.load %arg1[%get3A_67, %get3A_68] : memref<16x8xf32, #tpu.memory_space<smem>>
    %mul3A_70 = vector.broadcast %get3A_69 : f32 to vector<256x256xf32>
    %mul3A_71 = arith.mulf %get3A_66, %mul3A_70 : vector<256x256xf32>
    %add3A_72 = arith.addf %add3A_61, %mul3A_71 : vector<256x256xf32>
    %get3A_73 = arith.constant 7 : index
    %get3A_74 = arith.constant 0 : index
    %get3A_75 = arith.constant 0 : index
    %get3A_76 = vector.load %arg2[%get3A_73, %get3A_74, %get3A_75] : memref<8x256x256xf32, #tpu.memory_space<vmem>>, vector<1x256x256xf32>
    %get3A_77 = vector.shape_cast %get3A_76 : vector<1x256x256xf32> to vector<256x256xf32>
    %get3A_78 = arith.index_cast %arg0 : i32 to index
    %get3A_79 = arith.constant 7 : index
    %get3A_80 = memref.load %arg1[%get3A_78, %get3A_79] : memref<16x8xf32, #tpu.memory_space<smem>>
    %mul3A_81 = vector.broadcast %get3A_80 : f32 to vector<256x256xf32>
    %mul3A_82 = arith.mulf %get3A_77, %mul3A_81 : vector<256x256xf32>
    %add3A_83 = arith.addf %add3A_72, %mul3A_82 : vector<256x256xf32>
    %swap3A = arith.constant 0 : index
    %swap3A_84 = arith.constant 0 : index
    %swap3A_85 = vector.load %arg3[%swap3A, %swap3A_84] : memref<256x256xf32, #tpu.memory_space<vmem>>, vector<256x256xf32>
    tpu.vector_store %arg3[%swap3A, %swap3A_84], %add3A_83 {strides = array<i32>} : memref<256x256xf32, #tpu.memory_space<vmem>>, vector<256x256xf32>,
    return
  }
  func.func @transform_0(%arg0: i32) -> (i32, i32) {
    %c0_i32 = arith.constant 0 : i32
    %c0_i32_0 = arith.constant 0 : i32
    %c0_i32_1 = arith.constant 0 : i32
    return %c0_i32, %c0_i32_0 : i32, i32
  }
  func.func @transform_1(%arg0: i32) -> (i32, i32, i32) {
    %c0_i32 = arith.constant 0 : i32
    %c0_i32_0 = arith.constant 0 : i32
    %c0_i32_1 = arith.constant 0 : i32
    %c0_i32_2 = arith.constant 0 : i32
    return %c0_i32, %c0_i32_0, %c0_i32_1 : i32, i32, i32
  }
  func.func @transform_2(%arg0: i32) -> (i32, i32) {
    %c0_i32 = arith.constant 0 : i32
    %c0_i32_0 = arith.constant 0 : i32
    return %c0_i32, %arg0 : i32, i32
  }
}

module attributes {stable_mosaic.version = 14 : i64} {
  func.func @_matmul_body(%arg0: i32, %arg1: memref<256x256xf32, #tpu.memory_space<vmem>>, %arg2: memref<256x4352xf32, #tpu.memory_space<vmem>>, %arg3: memref<256x4352xf32, #tpu.memory_space<vmem>>) attributes {dimension_semantics = [#tpu.dimension_semantics<arbitrary>], iteration_bounds = array<i64: 40>, scalar_prefetch = 0 : i64, scratch_operands = 0 : i64, tpu.core_type = #tpu.core_type<tc>, window_params = [{transform_indices = @transform_0, window_bounds = array<i64: 256, 256>}, {pipeline_mode = #tpu.pipeline_mode<synchronous>, transform_indices = @transform_1, window_bounds = array<i64: 256, 4352>}, {transform_indices = @transform_2, window_bounds = array<i64: 256, 4352>}]} {
    %get3A = arith.constant 0 : index
    %get3A_0 = arith.constant 0 : index
    %get3A_1 = vector.load %arg1[%get3A, %get3A_0] : memref<256x256xf32, #tpu.memory_space<vmem>>, vector<256x256xf32>
    %get3A_2 = arith.constant 0 : index
    %get3A_3 = arith.constant 0 : index
    %get3A_4 = vector.load %arg2[%get3A_2, %get3A_3] : memref<256x4352xf32, #tpu.memory_space<vmem>>, vector<256x4352xf32>
    %dot_general3A = arith.constant dense<0.000000e+00> : vector<256x4352xf32>
    %dot_general3A_5 = tpu.matmul %get3A_1, %get3A_4, %dot_general3A {dimension_numbers = #tpu.dot_dimension_numbers<[1], [0], [0], [1], [0, 0, 1, 1], [], []>, transpose_lhs_hint = false} : vector<256x256xf32>, vector<256x4352xf32>, vector<256x4352xf32> -> vector<256x4352xf32>
    %swap3A = arith.constant 0 : index
    %swap3A_6 = arith.constant 0 : index
    %swap3A_7 = vector.load %arg3[%swap3A, %swap3A_6] : memref<256x4352xf32, #tpu.memory_space<vmem>>, vector<256x4352xf32>
    tpu.vector_store %arg3[%swap3A, %swap3A_6], %dot_general3A_5 {strides = array<i32>} : memref<256x4352xf32, #tpu.memory_space<vmem>>, vector<256x4352xf32>,
    return
  }
  func.func @transform_0(%arg0: i32) -> (i32, i32) {
    %c0_i32 = arith.constant 0 : i32
    %c0_i32_0 = arith.constant 0 : i32
    return %arg0, %c0_i32 : i32, i32
  }
  func.func @transform_1(%arg0: i32) -> (i32, i32) {
    %c0_i32 = arith.constant 0 : i32
    %c0_i32_0 = arith.constant 0 : i32
    %c0_i32_1 = arith.constant 0 : i32
    return %c0_i32, %c0_i32_0 : i32, i32
  }
  func.func @transform_2(%arg0: i32) -> (i32, i32) {
    %c0_i32 = arith.constant 0 : i32
    %c0_i32_0 = arith.constant 0 : i32
    return %arg0, %c0_i32 : i32, i32
  }
}

module attributes {stable_mosaic.version = 14 : i64} {
  func.func @_combine_body(%arg0: i32, %arg1: i32, %arg2: memref<1x128x128xf32, #tpu.memory_space<vmem>>, %arg3: memref<1x1x128xf32, #tpu.memory_space<vmem>>, %arg4: memref<128x128xf32, #tpu.memory_space<vmem>>, %arg5: memref<1x1x128xf32, #tpu.memory_space<vmem>>, %arg6: memref<128x128xf32, #tpu.memory_space<vmem>>) attributes {dimension_semantics = [#tpu.dimension_semantics<arbitrary>, #tpu.dimension_semantics<arbitrary>], iteration_bounds = array<i64: 80, 2>, scalar_prefetch = 0 : i64, scratch_operands = 0 : i64, tpu.core_type = #tpu.core_type<tc>, window_params = [{transform_indices = @transform_0, window_bounds = array<i64: 1, 128, 128>}, {transform_indices = @transform_1, window_bounds = array<i64: 1, 1, 128>}, {transform_indices = @transform_2, window_bounds = array<i64: 128, 128>}, {transform_indices = @transform_3, window_bounds = array<i64: 1, 1, 128>}, {transform_indices = @transform_4, window_bounds = array<i64: 128, 128>}]} {
    %get3A = arith.constant 0 : index
    %get3A_0 = arith.constant 0 : index
    %get3A_1 = arith.constant 0 : index
    %get3A_2 = vector.load %arg3[%get3A, %get3A_0, %get3A_1] : memref<1x1x128xf32, #tpu.memory_space<vmem>>, vector<1x1x128xf32>
    %get3A_3 = vector.shape_cast %get3A_2 : vector<1x1x128xf32> to vector<128xf32>
    %max3A = arith.constant 1.000000e+00 : f32
    %max3A_4 = vector.broadcast %max3A : f32 to vector<128xf32>
    %max3A_5 = arith.maximumf %get3A_3, %max3A_4 : vector<128xf32>
    %get3A_6 = arith.constant 0 : index
    %get3A_7 = arith.constant 0 : index
    %get3A_8 = arith.constant 0 : index
    %get3A_9 = vector.load %arg2[%get3A_6, %get3A_7, %get3A_8] : memref<1x128x128xf32, #tpu.memory_space<vmem>>, vector<1x128x128xf32>
    %get3A_10 = vector.shape_cast %get3A_9 : vector<1x128x128xf32> to vector<128x128xf32>
    %broadcast_in_dim3A = vector.shape_cast %max3A_5 : vector<128xf32> to vector<128x1xf32>
    %div3A = vector.broadcast %broadcast_in_dim3A : vector<128x1xf32> to vector<128x128xf32>
    %div3A_11 = arith.divf %get3A_10, %div3A : vector<128x128xf32>
    %get3A_12 = arith.constant 0 : index
    %get3A_13 = arith.constant 0 : index
    %get3A_14 = vector.load %arg4[%get3A_12, %get3A_13] : memref<128x128xf32, #tpu.memory_space<vmem>>, vector<128x128xf32>
    %add3A = arith.addf %div3A_11, %get3A_14 : vector<128x128xf32>
    %get3A_15 = arith.constant 0 : index
    %get3A_16 = arith.constant 0 : index
    %get3A_17 = arith.constant 0 : index
    %get3A_18 = vector.load %arg5[%get3A_15, %get3A_16, %get3A_17] : memref<1x1x128xf32, #tpu.memory_space<vmem>>, vector<1x1x128xf32>
    %get3A_19 = vector.shape_cast %get3A_18 : vector<1x1x128xf32> to vector<128xf32>
    %broadcast_in_dim3A_20 = vector.shape_cast %get3A_19 : vector<128xf32> to vector<1x128xf32>
    %add3A_21 = vector.broadcast %broadcast_in_dim3A_20 : vector<1x128xf32> to vector<128x128xf32>
    %add3A_22 = arith.addf %add3A, %add3A_21 : vector<128x128xf32>
    %max3A_23 = arith.constant 0.000000e+00 : f32
    %max3A_24 = vector.broadcast %max3A_23 : f32 to vector<128x128xf32>
    %max3A_25 = arith.maximumf %add3A_22, %max3A_24 : vector<128x128xf32>
    %swap3A = arith.constant 0 : index
    %swap3A_26 = arith.constant 0 : index
    %swap3A_27 = vector.load %arg6[%swap3A, %swap3A_26] : memref<128x128xf32, #tpu.memory_space<vmem>>, vector<128x128xf32>
    tpu.vector_store %arg6[%swap3A, %swap3A_26], %max3A_25 {strides = array<i32>} : memref<128x128xf32, #tpu.memory_space<vmem>>, vector<128x128xf32>,
    return
  }
  func.func @transform_0(%arg0: i32, %arg1: i32) -> (i32, i32, i32) {
    %c0_i32 = arith.constant 0 : i32
    %c0_i32_0 = arith.constant 0 : i32
    return %arg1, %arg0, %c0_i32 : i32, i32, i32
  }
  func.func @transform_1(%arg0: i32, %arg1: i32) -> (i32, i32, i32) {
    %c0_i32 = arith.constant 0 : i32
    %c0_i32_0 = arith.constant 0 : i32
    %c0_i32_1 = arith.constant 0 : i32
    return %arg0, %c0_i32, %c0_i32_0 : i32, i32, i32
  }
  func.func @transform_2(%arg0: i32, %arg1: i32) -> (i32, i32) {
    %add3A = arith.constant 32 : i32
    %add3A_0 = arith.addi %add3A, %arg1 : i32
    %c0_i32 = arith.constant 0 : i32
    return %arg0, %add3A_0 : i32, i32
  }
  func.func @transform_3(%arg0: i32, %arg1: i32) -> (i32, i32, i32) {
    %c0_i32 = arith.constant 0 : i32
    %c0_i32_0 = arith.constant 0 : i32
    %c0_i32_1 = arith.constant 0 : i32
    return %arg1, %c0_i32, %c0_i32_0 : i32, i32, i32
  }
  func.func @transform_4(%arg0: i32, %arg1: i32) -> (i32, i32) {
    %c0_i32 = arith.constant 0 : i32
    return %arg0, %arg1 : i32, i32
  }
}

module attributes {stable_mosaic.version = 14 : i64} {
  func.func @_combine_body(%arg0: i32, %arg1: i32, %arg2: memref<1x128x128xf32, #tpu.memory_space<vmem>>, %arg3: memref<1x1x128xf32, #tpu.memory_space<vmem>>, %arg4: memref<128x128xf32, #tpu.memory_space<vmem>>, %arg5: memref<1x1x128xf32, #tpu.memory_space<vmem>>, %arg6: memref<128x128xf32, #tpu.memory_space<vmem>>) attributes {dimension_semantics = [#tpu.dimension_semantics<arbitrary>, #tpu.dimension_semantics<arbitrary>], iteration_bounds = array<i64: 80, 2>, scalar_prefetch = 0 : i64, scratch_operands = 0 : i64, tpu.core_type = #tpu.core_type<tc>, window_params = [{transform_indices = @transform_0, window_bounds = array<i64: 1, 128, 128>}, {transform_indices = @transform_1, window_bounds = array<i64: 1, 1, 128>}, {transform_indices = @transform_2, window_bounds = array<i64: 128, 128>}, {transform_indices = @transform_3, window_bounds = array<i64: 1, 1, 128>}, {transform_indices = @transform_4, window_bounds = array<i64: 128, 128>}]} {
    %get3A = arith.constant 0 : index
    %get3A_0 = arith.constant 0 : index
    %get3A_1 = arith.constant 0 : index
    %get3A_2 = vector.load %arg3[%get3A, %get3A_0, %get3A_1] : memref<1x1x128xf32, #tpu.memory_space<vmem>>, vector<1x1x128xf32>
    %get3A_3 = vector.shape_cast %get3A_2 : vector<1x1x128xf32> to vector<128xf32>
    %max3A = arith.constant 1.000000e+00 : f32
    %max3A_4 = vector.broadcast %max3A : f32 to vector<128xf32>
    %max3A_5 = arith.maximumf %get3A_3, %max3A_4 : vector<128xf32>
    %get3A_6 = arith.constant 0 : index
    %get3A_7 = arith.constant 0 : index
    %get3A_8 = arith.constant 0 : index
    %get3A_9 = vector.load %arg2[%get3A_6, %get3A_7, %get3A_8] : memref<1x128x128xf32, #tpu.memory_space<vmem>>, vector<1x128x128xf32>
    %get3A_10 = vector.shape_cast %get3A_9 : vector<1x128x128xf32> to vector<128x128xf32>
    %broadcast_in_dim3A = vector.shape_cast %max3A_5 : vector<128xf32> to vector<128x1xf32>
    %div3A = vector.broadcast %broadcast_in_dim3A : vector<128x1xf32> to vector<128x128xf32>
    %div3A_11 = arith.divf %get3A_10, %div3A : vector<128x128xf32>
    %get3A_12 = arith.constant 0 : index
    %get3A_13 = arith.constant 0 : index
    %get3A_14 = vector.load %arg4[%get3A_12, %get3A_13] : memref<128x128xf32, #tpu.memory_space<vmem>>, vector<128x128xf32>
    %add3A = arith.addf %div3A_11, %get3A_14 : vector<128x128xf32>
    %get3A_15 = arith.constant 0 : index
    %get3A_16 = arith.constant 0 : index
    %get3A_17 = arith.constant 0 : index
    %get3A_18 = vector.load %arg5[%get3A_15, %get3A_16, %get3A_17] : memref<1x1x128xf32, #tpu.memory_space<vmem>>, vector<1x1x128xf32>
    %get3A_19 = vector.shape_cast %get3A_18 : vector<1x1x128xf32> to vector<128xf32>
    %broadcast_in_dim3A_20 = vector.shape_cast %get3A_19 : vector<128xf32> to vector<1x128xf32>
    %add3A_21 = vector.broadcast %broadcast_in_dim3A_20 : vector<1x128xf32> to vector<128x128xf32>
    %add3A_22 = arith.addf %add3A, %add3A_21 : vector<128x128xf32>
    %swap3A = arith.constant 0 : index
    %swap3A_23 = arith.constant 0 : index
    %swap3A_24 = vector.load %arg6[%swap3A, %swap3A_23] : memref<128x128xf32, #tpu.memory_space<vmem>>, vector<128x128xf32>
    tpu.vector_store %arg6[%swap3A, %swap3A_23], %add3A_22 {strides = array<i32>} : memref<128x128xf32, #tpu.memory_space<vmem>>, vector<128x128xf32>,
    return
  }
  func.func @transform_0(%arg0: i32, %arg1: i32) -> (i32, i32, i32) {
    %c0_i32 = arith.constant 0 : i32
    %c0_i32_0 = arith.constant 0 : i32
    return %arg1, %arg0, %c0_i32 : i32, i32, i32
  }
  func.func @transform_1(%arg0: i32, %arg1: i32) -> (i32, i32, i32) {
    %c0_i32 = arith.constant 0 : i32
    %c0_i32_0 = arith.constant 0 : i32
    %c0_i32_1 = arith.constant 0 : i32
    return %arg0, %c0_i32, %c0_i32_0 : i32, i32, i32
  }
  func.func @transform_2(%arg0: i32, %arg1: i32) -> (i32, i32) {
    %add3A = arith.constant 32 : i32
    %add3A_0 = arith.addi %add3A, %arg1 : i32
    %c0_i32 = arith.constant 0 : i32
    return %arg0, %add3A_0 : i32, i32
  }
  func.func @transform_3(%arg0: i32, %arg1: i32) -> (i32, i32, i32) {
    %c0_i32 = arith.constant 0 : i32
    %c0_i32_0 = arith.constant 0 : i32
    %c0_i32_1 = arith.constant 0 : i32
    return %arg1, %c0_i32, %c0_i32_0 : i32, i32, i32
  }
  func.func @transform_4(%arg0: i32, %arg1: i32) -> (i32, i32) {
    %c0_i32 = arith.constant 0 : i32
    return %arg0, %arg1 : i32, i32
  }
}

module attributes {stable_mosaic.version = 14 : i64} {
  func.func @_matmul_body(%arg0: i32, %arg1: memref<256x256xf32, #tpu.memory_space<vmem>>, %arg2: memref<256x128xf32, #tpu.memory_space<vmem>>, %arg3: memref<256x128xf32, #tpu.memory_space<vmem>>) attributes {dimension_semantics = [#tpu.dimension_semantics<arbitrary>], iteration_bounds = array<i64: 40>, scalar_prefetch = 0 : i64, scratch_operands = 0 : i64, tpu.core_type = #tpu.core_type<tc>, window_params = [{transform_indices = @transform_0, window_bounds = array<i64: 256, 256>}, {pipeline_mode = #tpu.pipeline_mode<synchronous>, transform_indices = @transform_1, window_bounds = array<i64: 256, 128>}, {transform_indices = @transform_2, window_bounds = array<i64: 256, 128>}]} {
    %get3A = arith.constant 0 : index
    %get3A_0 = arith.constant 0 : index
    %get3A_1 = vector.load %arg1[%get3A, %get3A_0] : memref<256x256xf32, #tpu.memory_space<vmem>>, vector<256x256xf32>
    %get3A_2 = arith.constant 0 : index
    %get3A_3 = arith.constant 0 : index
    %get3A_4 = vector.load %arg2[%get3A_2, %get3A_3] : memref<256x128xf32, #tpu.memory_space<vmem>>, vector<256x128xf32>
    %dot_general3A = arith.constant dense<0.000000e+00> : vector<256x128xf32>
    %dot_general3A_5 = tpu.matmul %get3A_1, %get3A_4, %dot_general3A {dimension_numbers = #tpu.dot_dimension_numbers<[1], [0], [0], [1], [0, 0, 1, 1], [], []>, transpose_lhs_hint = false} : vector<256x256xf32>, vector<256x128xf32>, vector<256x128xf32> -> vector<256x128xf32>
    %swap3A = arith.constant 0 : index
    %swap3A_6 = arith.constant 0 : index
    %swap3A_7 = vector.load %arg3[%swap3A, %swap3A_6] : memref<256x128xf32, #tpu.memory_space<vmem>>, vector<256x128xf32>
    tpu.vector_store %arg3[%swap3A, %swap3A_6], %dot_general3A_5 {strides = array<i32>} : memref<256x128xf32, #tpu.memory_space<vmem>>, vector<256x128xf32>,
    return
  }
  func.func @transform_0(%arg0: i32) -> (i32, i32) {
    %c0_i32 = arith.constant 0 : i32
    %c0_i32_0 = arith.constant 0 : i32
    return %arg0, %c0_i32 : i32, i32
  }
  func.func @transform_1(%arg0: i32) -> (i32, i32) {
    %c0_i32 = arith.constant 0 : i32
    %c0_i32_0 = arith.constant 0 : i32
    %c0_i32_1 = arith.constant 0 : i32
    return %c0_i32, %c0_i32_0 : i32, i32
  }
  func.func @transform_2(%arg0: i32) -> (i32, i32) {
    %c0_i32 = arith.constant 0 : i32
    %c0_i32_0 = arith.constant 0 : i32
    return %arg0, %c0_i32 : i32, i32
  }
}

module attributes {stable_mosaic.version = 14 : i64} {
  func.func @_score_body(%arg0: i32, %arg1: memref<1024x256xf32, #tpu.memory_space<vmem>>, %arg2: memref<1024x256xf32, #tpu.memory_space<vmem>>, %arg3: memref<1024x256xf32, #tpu.memory_space<vmem>>, %arg4: memref<8x128xf32, #tpu.memory_space<vmem>>) attributes {dimension_semantics = [#tpu.dimension_semantics<arbitrary>], iteration_bounds = array<i64: 8>, scalar_prefetch = 0 : i64, scratch_operands = 0 : i64, tpu.core_type = #tpu.core_type<tc>, window_params = [{transform_indices = @transform_0, window_bounds = array<i64: 1024, 256>}, {transform_indices = @transform_1, window_bounds = array<i64: 1024, 256>}, {transform_indices = @transform_2, window_bounds = array<i64: 1024, 256>}, {transform_indices = @transform_3, window_bounds = array<i64: 8, 128>}]} {
    %get3A = arith.constant 0 : index
    %get3A_0 = arith.constant 0 : index
    %get3A_1 = vector.load %arg1[%get3A, %get3A_0] : memref<1024x256xf32, #tpu.memory_space<vmem>>, vector<1024x256xf32>
    %get3A_2 = arith.constant 0 : index
    %get3A_3 = arith.constant 0 : index
    %get3A_4 = vector.load %arg2[%get3A_2, %get3A_3] : memref<1024x256xf32, #tpu.memory_space<vmem>>, vector<1024x256xf32>
    %mul3A = arith.mulf %get3A_1, %get3A_4 : vector<1024x256xf32>
    %get3A_5 = arith.constant 0 : index
    %get3A_6 = arith.constant 0 : index
    %get3A_7 = vector.load %arg3[%get3A_5, %get3A_6] : memref<1024x256xf32, #tpu.memory_space<vmem>>, vector<1024x256xf32>
    %mul3A_8 = arith.mulf %mul3A, %get3A_7 : vector<1024x256xf32>
    %reduce_sum3A = arith.constant dense<0.000000e+00> : vector<1024xf32>
    %reduce_sum3A_9 = vector.multi_reduction <add>, %mul3A_8, %reduce_sum3A [1] : vector<1024x256xf32> to vector<1024xf32>
    %reshape3A = vector.shape_cast %reduce_sum3A_9 : vector<1024xf32> to vector<8x128xf32>
    %swap3A = arith.constant 0 : index
    %swap3A_10 = arith.constant 0 : index
    %swap3A_11 = vector.load %arg4[%swap3A, %swap3A_10] : memref<8x128xf32, #tpu.memory_space<vmem>>, vector<8x128xf32>
    tpu.vector_store %arg4[%swap3A, %swap3A_10], %reshape3A {strides = array<i32>} : memref<8x128xf32, #tpu.memory_space<vmem>>, vector<8x128xf32>,
    return
  }
  func.func @transform_0(%arg0: i32) -> (i32, i32) {
    %c0_i32 = arith.constant 0 : i32
    %c0_i32_0 = arith.constant 0 : i32
    return %arg0, %c0_i32 : i32, i32
  }
  func.func @transform_1(%arg0: i32) -> (i32, i32) {
    %c0_i32 = arith.constant 0 : i32
    %c0_i32_0 = arith.constant 0 : i32
    return %arg0, %c0_i32 : i32, i32
  }
  func.func @transform_2(%arg0: i32) -> (i32, i32) {
    %c0_i32 = arith.constant 0 : i32
    %c0_i32_0 = arith.constant 0 : i32
    return %arg0, %c0_i32 : i32, i32
  }
  func.func @transform_3(%arg0: i32) -> (i32, i32) {
    %c0_i32 = arith.constant 0 : i32
    %c0_i32_0 = arith.constant 0 : i32
    return %arg0, %c0_i32 : i32, i32
  }
}

</mosaic_0001>

<sc_bundles>
// kernel: kernel.14.cloned.1.call-start
scs
__scs_entry_jumppad:
0x0: {  	(pc) =	sbr.rel $0x88, $3  }
0x1: {  	(tag) =	ssettag $0x0;
	lr =	simm.s32 $0x1  }
0x2: {  	[smem:$0x3F90] =	sst lr;
	_ =	strace $0xD0000000  }
0x3: {  	_ = 	snop  }
0x4: {  	_ = 	snop  }
0x5: {  	_ = 	snop  }
0x6: {  	_ = 	snop  }
0x7: {  	_ = 	snop  }
__scs_overlays_trampoline_lowered:
0x8: {  	[smem:$0x3F9F] =	sst s0  }
0x9: {  	[smem:$0x3FA0] =	sst s1  }
0xa: {  	[smem:$0x3FA1] =	sst s2  }
0xb: {  	[smem:$0x3FA2] =	sst s3  }
0xc: {  	[smem:$0x3FA3] =	sst s4  }
0xd: {  	[smem:$0x3FA4] =	sst s5  }
0xe: {  	[smem:$0x3FA5] =	sst s6  }
0xf: {  	[smem:$0x3FA6] =	sst s7  }
0x10: {  	[smem:$0x3FA7] =	sst s8  }
0x11: {  	[smem:$0x3FA8] =	sst s9;
	s0 =	simm.s32 @!p0 $0x0  }
0x12: {  	s1 =	sld [smem:$0x3F8E];
	s0 =	simm.s32 @p0 $0x1  }
0x13: {  	[smem:$0x3FA9] =	sst s0;
	s0 =	simm.s32 @!p1 $0x0  }
0x14: {  	s2 =	sld [smem:$0x3F8D];
	s0 =	simm.s32 @p1 $0x1  }
0x15: {  	[smem:$0x3FAA] =	sst s0;
	s0 =	simm.s32 @!p2 $0x0  }
0x16: {  	s3 =	sld [smem:$0x3FDB];
	s0 =	simm.s32 @p2 $0x1  }
0x17: {  	s4 =	simm.s32 $0x1BF5;
	[smem:$0x3FAC] =	sst s0  }
0x18: {  	s0 =	sld [smem:$0x3F8F];
	_ =	swait.ge [sflag:s4], $0x0  }
0x19: {  	s7 =	sld [smem:$0x3F90]  }
0x1a: {  	s8 =	sadd.s32 $0xFFFFE003, lr  }
0x1b: {  	s9 =	sadd.s32 $0xFFFFFEF7, lr;
	s5 =	simm.s32 $0xFFFFFFFF;
	p2 =	slt.u32 s8, $0xFFFFF086  }
0x1c: {  	p1 =	slt.u32 s9, $0xF7A;
	s5 =	simm.s32 @!p2 $0x0  }
0x1d: {  	s5 =	simm.s32 @p1 $0x1;
	p0 =	seq.s32 s7, s2  }
0x1e: {  	s7 =	smul.u32 @!p0 $0xF7A, s2;
	p2 =	seq.s32 @!p0 s5, $0x0  }
0x1f: {  	s9 =	smul.u32 $0xF7A, s1;
	s8 =	simm.s32 @!p0 $0x1BF5;
	p2 =	por !p2, p0  }
0x20: {  	[sflag:s8] =	ssyncset.s32 @!p0 $0xFFFFF086;
	s6 =	sadd.s32 @!p0 s3, s7;
	s7 =	simm.s32 @!p0 $0x108  }
0x21: {  	s3 =	sadd.s32 s3, s9;
	s6 =	sadd.s32 @!p0 $0x88, s6;
	s7 =	simm.s32 @p2 $0x1082  }
0x22: {  	[simem:s7], [sflag:s8] =	dma.local @!p0 [hbm:s6], $0xF7A  }
0x23: {  	s9 =	sor.u32 $0xD0000000, s2;
	s6 =	simm.s32 $0x108;
	_ =	swait.ge @!p0 [sflag:s8], $0x0  }
0x24: {  	s3 =	sadd.s32 $0x88, s3;
	s6 =	simm.s32 @!p1 $0x1082;
	[sflag:s4] =	ssyncset.s32 $0xFFFFF086  }
0x25: {  	[simem:s6], [sflag:s4] =	dma.local [hbm:s3], $0xF7A  }
0x26: {  	[smem:$0x3F90] =	sst s1;
	(tag) =	ssettag s2;
	_ =	strace s9  }
0x27: {  	s1 =	sld [smem:$0x3FA0]  }
0x28: {  	s2 =	sld [smem:$0x3FA1]  }
0x29: {  	s4 =	sld [smem:$0x3FA3]  }
0x2a: {  	p0 =	seq.s32 s5, $0x0;
	s5 =	sld [smem:$0x3FA4]  }
0x2b: {  	s6 =	sld [smem:$0x3FA5]  }
0x2c: {  	s7 =	sld [smem:$0x3FA6]  }
0x2d: {  	s3 =	simm.s32 $0x108;
	s8 =	sld [smem:$0x3FA7]  }
0x2e: {  	s3 =	simm.s32 @!p0 $0x1082;
	s9 =	sld [smem:$0x3FA8]  }
0x2f: {  	lr =	sadd.s32 s0, s3;
	s0 =	sld [smem:$0x3F9F]  }
0x30: {  	s3 =	sld [smem:$0x3FA2]  }
0x31: {  	[smem:$0x3FAB] =	sst s10  }
0x32: {  	s10 =	sld [smem:$0x3FA9];
	_ =	sdelay $0x3  }
0x33: {  	p0 =	seq.s32 s10, $0x1;
	s10 =	sld [smem:$0x3FAB];
	_ =	sdelay $0x3  }
0x34: {  	[smem:$0x3FAB] =	sst s10  }
0x35: {  	s10 =	sld [smem:$0x3FAA];
	_ =	sdelay $0x3  }
0x36: {  	p1 =	seq.s32 s10, $0x1;
	s10 =	sld [smem:$0x3FAB];
	_ =	sdelay $0x3  }
0x37: {  	[smem:$0x3FAB] =	sst s10  }
0x38: {  	s10 =	sld [smem:$0x3FAC]  }
0x39: {  	_ = 	snop;
	(pc) =	sbr.ind lr, $3  }
0x3a: {  	_ = 	snop  }
0x3b: {  	_ = 	snop  }
0x3c: {  	p2 =	seq.s32 s10, $0x1;
	s10 =	sld [smem:$0x3FAB]  }
0x3d: {  	_ =	shalt  }
0x3e: {  	_ =	shalt  }
0x3f: {  	_ =	shalt  }
0x40: {  	_ =	shalt  }
0x41: {  	_ =	shalt  }
0x42: {  	_ =	shalt  }
0x43: {  	_ =	shalt  }
0x44: {  	_ =	shalt  }
0x45: {  	_ =	shalt  }
0x46: {  	_ =	shalt  }
0x47: {  	_ =	shalt  }
0x48: {  	_ =	shalt  }
0x49: {  	_ =	shalt  }
0x4a: {  	_ =	shalt  }
0x4b: {  	_ =	shalt  }
0x4c: {  	_ =	shalt  }
0x4d: {  	_ =	shalt  }
0x4e: {  	_ =	shalt  }
0x4f: {  	_ =	shalt  }
0x50: {  	_ =	shalt  }
0x51: {  	_ =	shalt  }
0x52: {  	_ =	shalt  }
0x53: {  	_ =	shalt  }
0x54: {  	_ =	shalt  }
0x55: {  	_ =	shalt  }
0x56: {  	_ =	shalt  }
0x57: {  	_ =	shalt  }
0x58: {  	_ =	shalt  }
0x59: {  	_ =	shalt  }
0x5a: {  	_ =	shalt  }
0x5b: {  	_ =	shalt  }
0x5c: {  	_ =	shalt  }
0x5d: {  	_ =	shalt  }
0x5e: {  	_ =	shalt  }
0x5f: {  	_ =	shalt  }
0x60: {  	_ =	shalt  }
0x61: {  	_ =	shalt  }
0x62: {  	_ =	shalt  }
0x63: {  	_ =	shalt  }
0x64: {  	_ =	shalt  }
0x65: {  	_ =	shalt  }
0x66: {  	_ =	shalt  }
0x67: {  	_ =	shalt  }
0x68: {  	_ =	shalt  }
0x69: {  	_ =	shalt  }
0x6a: {  	_ =	shalt  }
0x6b: {  	_ =	shalt  }
0x6c: {  	_ =	shalt  }
0x6d: {  	_ =	shalt  }
0x6e: {  	_ =	shalt  }
0x6f: {  	_ =	shalt  }
0x70: {  	_ =	shalt  }
0x71: {  	_ =	shalt  }
0x72: {  	_ =	shalt  }
0x73: {  	_ =	shalt  }
0x74: {  	_ =	shalt  }
0x75: {  	_ =	shalt  }
0x76: {  	_ =	shalt  }
0x77: {  	_ =	shalt  }
0x78: {  	_ =	shalt  }
0x79: {  	_ =	shalt  }
0x7a: {  	_ =	shalt  }
0x7b: {  	_ =	shalt  }
0x7c: {  	_ =	shalt  }
0x7d: {  	_ =	shalt  }
0x7e: {  	_ =	shalt  }
0x7f: {  	_ =	shalt  }
0x80: {  	_ =	shalt  }
0x81: {  	_ =	shalt  }
0x82: {  	_ =	shalt  }
0x83: {  	_ =	shalt  }
0x84: {  	_ =	shalt  }
0x85: {  	_ =	shalt  }
0x86: {  	_ =	shalt  }
0x87: {  	_ =	shalt  }
.Lfunc_end0:
.L_simem_size_0:
called_computation_lowered:
.L_overlay_start_0:
0x88: {  	s2 =	sld [smem:$0x3FD9]  }
0x89: {  	s3 =	sld [smem:$0x3FFE];
	_ =	sdelay $0x1  }
0x8a: {  	s1 =	srdreg.scid  }
0x8b: {  	s0 =	sand.u32 $0x1, s1  }
0x8c: {  	s14 =	sshll.u32 s0, $0xA;
	s2 =	sadd.s32 s3, s2  }
0x8d: {  	s2 =	sadd.s32 s2, s14  }
0x8e: {  	[smem:$0x3FB7] =	sst s2  }
0x8f: {  	_ = 	snop  }
0x90: {  	s2 =	sld [smem:$0x3FD0];
	_ =	sdelay $0x2  }
0x91: {  	s15 =	simm.s32 $0xB;
	s4 =	simm.s32 $0x10  }
0x92: {  	[smem:s4], [sflag:s15] =	dma.local [hbm:s2], $0x1  }
0x93: {  	_ =	swait.eq [sflag:s15], $0x1  }
0x94: {  	[sflag:s15] =	ssyncset.done $0x0  }
0x95: {  	[sflag:s15] =	ssyncadd.s32 $0xFFFFFFFF  }
0x96: {  	s16 =	sld [smem:$0x11];
	(tm) =	ssettm $0x1  }
0x97: {  	s17 =	sld [smem:$0x3FFB];
	_ =	sdelay $0x3  }
0x98: {  	_ =	strace s17  }
0x99: {  	s3 =	sld [smem:$0x3FFC];
	_ =	sdelay $0x3  }
0x9a: {  	_ =	strace s3  }
0x9b: {  	s3 =	sld [smem:$0x3FFD];
	_ =	sdelay $0x3  }
0x9c: {  	_ =	strace s3  }
0x9d: {  	_ =	strace $0x8FFFFFFF  }
0x9e: {  	s18 =	sld [smem:$0x3FDB];
	_ =	sdelay $0x1  }
0x9f: {  	s19 =	simm.s32 $_scs_section_size  }
0xa0: {  	s5 =	simm.s32 $_size__tile_overlayer_lowered;
	s6 =	simm.s32 $_tile_overlayer_lowered  }
0xa1: {  	s22 =	simm.s32 $0x1BFF;
	s21 =	sshll.u32 s6, $0x1;
	s3 =	sadd.s32 s19, s18  }
0xa2: {  	s7 =	simm.s32 $0x0;
	s20 =	sshll.u32 s5, $0x1;
	s5 =	sadd.s32 s21, s3  }
0xa3: {  	[timem:s7], [sflag:s22] =	dma.local [hbm:s5], s20  }
0xa4: {  	_ =	swait.ge [sflag:s22], s20  }
0xa5: {  	s4 =	ssub.s32 $0x0, s20;
	[sflag:s22] =	ssyncset.done $0x0  }
0xa6: {  	[sflag:s22] =	ssyncadd.s32 s4;
	_ =	sdelay $0x1  }
0xa7: {  	s23 =	simm.s32 $0x1B8B  }
0xa8: {  	_ =	swait.ge [sflag:s23], $0x1  }
0xa9: {  	[sflag:s23] =	ssyncset.done $0x0  }
0xaa: {  	s25 =	simm.s32 $0x1B8E;
	s24 =	sld [smem:$0x3FFE];
	[sflag:s23] =	ssyncadd.s32 $0xFFFFFFFF  }
0xab: {  	s26 =	simm.s32 $execute0_lowered;
	[smem:$0x3FD2] =	sst s25  }
0xac: {  	s5 =	sshll.u32 s26, $0x1;
	_ =	strace $0x80000046;
	[dreg:$0x1] =	wrdreg $0xFFFFFFFF  }
0xad: {  	s28 =	simm.s32 $_size_execute0_lowered;
	s3 =	sadd.s32 s3, s5;
	[dreg:$0x0] =	wrdreg $0x0  }
0xae: {  	s5 =	sshll.u32 s28, $0x1;
	[dreg:$0x2] =	wrdreg s3  }
0xaf: {  	[dreg:$0x3] =	wrdreg s5  }
0xb0: {  	[dreg:$0x4] =	wrdreg $0xC0  }
0xb1: {  	_ =	task [dreg:s7], $0x5FFFF  }
0xb2: {  	[dreg:$0x1] =	wrdreg $0xFFFFFFFF  }
0xb3: {  	[dreg:$0x0] =	wrdreg $0x60  }
0xb4: {  	[dreg:$0x2] =	wrdreg s24  }
0xb5: {  	[dreg:$0x3] =	wrdreg s16  }
0xb6: {  	[dreg:$0x4] =	wrdreg $0x40800  }
0xb7: {  	[dreg:$0x5] =	wrdreg $0x9  }
0xb8: {  	_ =	task.clear_ibuf [dreg:s7], $0x6FFFF;
	_ =	strace $0x90000046  }
0xb9: {  	s29 =	simm.s32 $0x9;
	_ =	strace $0x80000048  }
0xba: {  	_ =	swait.ge [sflag:s29], $0x1  }
0xbb: {  	[sflag:s29] =	ssyncadd.s32 $0xFFFFFFFF  }
0xbc: {  	_ =	strace $0x90000048  }
0xbd: {  	_ =	sfence  }
0xbe: {  	s30 =	sld [smem:$0x0];
	_ =	sdelay $0x2  }
0xbf: {  	s31 =	sshll.u32 s1, $0xD;
	s1 =	sshrl.u32 s1, $0x2  }
0xc0: {  	s3 =	sand.u32 $0x4000, s31;
	s1 =	sadd.s32 s1, s30  }
0xc1: {  	s0 =	sor.u32 s3, s0;
	s1 =	sshll.u32 s1, $0x11  }
0xc2: {  	s0 =	sor.u32 s1, s0  }
0xc3: {  	s0 =	sadd.s32 $0x8F2B, s0  }
0xc4: {  	[sflag:s0] =	ssyncadd.remote.s32 $0x1  }
0xc5: {  	_ =	sfence.sel $0xFFFF  }
0xc6: {  	[dreg:$0x0] =	wrdreg $0xFFFFFFFF;
	(pc) =	sbr.abs _section_cstart, $3  }
0xc7: {  	[dreg:$0x1] =	wrdreg $0xFFFFFFFF  }
0xc8: {  	_ =	task.clear_ibuf [dreg:s7], $0x2FFFF;
	_ =	strace $0x9FFFFFFF  }
0xc9: {  	(tm) =	ssettm $0x7FFFFFFF  }
tec
execute0_lowered:
.L_overlay_start_1:
0x0: {  	(tag) =	ssettag $0x1  }
0x1: {  	s6 =	rddreg [dreg:$0x0]  }
0x2: {  	s2 =	rddreg [dreg:$0x1]  }
0x3: {  	s3 =	rddreg [dreg:$0x2]  }
0x4: {  	s0 =	rddreg [dreg:$0x3];
	s1 =	stileid.u32  }
0x5: {  	s7 =	srdreg.scid;
	s5 =	smul.u32 $0x500, s1  }
0x6: {  	s4 =	simm.s32 $0x0;
	s7 =	sand.u32 $0x1, s7;
	s8 =	smul.u32 $0x2800, s1  }
0x7: {  	[smem:$0x7FF] =	sst s4;
	s28 =	smul.u32 $0x50000, s1;
	s30 =	sshll.u32 s1, $0x6  }
0x8: {  	s9 =	smul.u32 $0x28000, s7;
	_ =	strace $0x80000047;
	s29 =	ssub.s32 $0x2, s7  }
0x9: {  	s12 =	smul.u32 $0x280, s7;
	s10 =	sadd.s32 s5, s6;
	s5 =	sadd.s32 $0xDC00, s6  }
0xa: {  	s11 =	sshrl.u32 s29, $0x1;
	s8 =	sadd.s32 s8, s9;
	s9 =	sshrl.u32 s28, $0x2  }
0xb: {  	s11 =	ssub.s32 s29, s11;
	s31 =	sadd.s32 s12, s10;
	s12 =	simm.s32 $0x80  }
0xc: {  	s8 =	sadd.s32 s8, s6;
	s13 =	sadd.s32 s9, s3;
	s6 =	sor.u32 $0x1C01, s30  }
0xd: {  	s9 =	sadd.s32 $0x8C00, s31;
	s7 =	sadd.s32 $0x10400, s8;
	s8 =	smax.u32 s11, $0x1  }
0xe: {  	s10 =	sshrl.u32 s13, $0x3;
	s11 =	simm.s32 $0x1;
	s13 =	simm.s32 $0x0  }
.LBB2_1:
0xf: {  	[spmem:s10], [sflag:s6] =	dma.local [hbm:s5], $0x2800  }
0x10: {  	_ =	swait.ge [sflag:s11], $0x2800  }
0x11: {  	[sflag:s11] =	ssyncset.done $0x0  }
0x12: {  	[sflag:s11] =	ssyncadd.s32 $0xFFFFD800  }
0x13: {  	[tilespmem:s12], [sflag:$0x1] =	stream.linear.gather [hbm4b:s2+s4], $0x4000, $0x38;
	[tilespmem:$0x18080] =	vst v63  }
0x14: {  	_ =	swait.ge [sflag:s11], $0x4000  }
0x15: {  	[sflag:s11] =	ssyncset.done $0x0  }
0x16: {  	[sflag:s11] =	ssyncadd.s32 $0xFFFFC000  }
0x17: {  	s14 =	sadd.s32 $0x0, s9;
	[bflag:$0x0] =	sbarrier.arrive $0xFFFF  }
0x18: {  	[tilespmem:s4], [sflag:$0x1] =	stream.linear.gather [hbm4b:s14+s4], $0x80, $0x38;
	[tilespmem:$0x18080] =	vst v63  }
0x19: {  	_ =	swait.ge [sflag:s11], $0x80  }
0x1a: {  	[sflag:s11] =	ssyncset.done $0x0  }
0x1b: {  	[sflag:s11] =	ssyncadd.s32 $0xFFFFFF80  }
0x1c: {  	[spmem:s3] =	stream.indirect.scatter.add.f32 [tilespmem:s12], [sflag:$0x1], $0x80, s4, s12, $0xb8;
	[tilespmem:$0x18080] =	vst v63  }
0x1d: {  	_ =	swait.ge [sflag:s11], $0x4000  }
0x1e: {  	s15 =	simm.s32 $0x20;
	s14 =	simm.s32 $0x10;
	[sflag:s11] =	ssyncset.done $0x0  }
.LBB2_2:
0x1f: {  	s16 =	sadd.s32 s14, s9  }
0x20: {  	[sflag:s11] =	ssyncadd.s32 $0xFFFFC000;
	s14 =	smov.u32 s15;
	s17 =	sadd.s32 $0x10, s15  }
0x21: {  	[tilespmem:s4], [sflag:$0x1] =	stream.linear.gather [hbm4b:s16+s4], $0x80, $0x38;
	[tilespmem:$0x18080] =	vst v63  }
0x22: {  	p0 =	sne.s32 s15, $0x270;
	_ =	swait.ge [sflag:s11], $0x80  }
.Ltmp0:
0x23: {  	[sflag:s11] =	ssyncset.done $0x0;
	(pc) =	sbr.rel @p0 .LBB2_2-.Ltmp0, $4  }
0x24: {  	[sflag:s11] =	ssyncadd.s32 $0xFFFFFF80  }
0x25: {  	[spmem:s3] =	stream.indirect.scatter.add.f32 [tilespmem:s12], [sflag:$0x1], $0x80, s4, s12, $0xb8;
	[tilespmem:$0x18080] =	vst v63  }
0x26: {  	_ =	swait.ge [sflag:s11], $0x4000  }
0x27: {  	s15 =	smov.u32 s17;
	[sflag:s11] =	ssyncset.done $0x0  }
0x28: {  	s14 =	sadd.s32 s14, s9;
	[sflag:s11] =	ssyncadd.s32 $0xFFFFC000  }
0x29: {  	[tilespmem:s4], [sflag:$0x1] =	stream.linear.gather [hbm4b:s14+s4], $0x80, $0x38;
	[tilespmem:$0x18080] =	vst v63  }
0x2a: {  	_ =	swait.ge [sflag:s11], $0x80  }
0x2b: {  	[sflag:s11] =	ssyncset.done $0x0  }
0x2c: {  	[sflag:s11] =	ssyncadd.s32 $0xFFFFFF80  }
0x2d: {  	[spmem:s3] =	stream.indirect.scatter.add.f32 [tilespmem:s12], [sflag:$0x1], $0x80, s4, s12, $0xb8;
	[tilespmem:$0x18080] =	vst v63  }
0x2e: {  	_ =	swait.ge [sflag:s11], $0x4000  }
0x2f: {  	s13 =	sadd.s32 $0x1, s13;
	[sflag:s11] =	ssyncset.done $0x0  }
0x30: {  	p0 =	sne.s32 s13, s8;
	[sflag:s11] =	ssyncadd.s32 $0xFFFFC000  }
.Ltmp1:
0x31: {  	[bflag:$0x0] =	sbarrier.arrive $0xFFFF;
	(pc) =	sbr.rel @p0 .LBB2_1-.Ltmp1, $4  }
0x32: {  	[hbm:s7], [sflag:s6] =	dma.local [spmem:s10], $0x2800  }
0x33: {  	_ =	swait.ge [sflag:s11], $0x2800  }
0x34: {  	[sflag:s11] =	ssyncset.done $0x0  }
0x35: {  	[sflag:s11] =	ssyncadd.s32 $0xFFFFD800  }
0x36: {  	_ =	sfence.sel $0x180000  }
0x37: {  	[bflag:$0x0] =	sbarrier.arrive $0xFFFF  }
0x38: {  	p0 =	sne.s32 s1, $0x0;
	_ =	strace $0x90000047  }
0x39: {  	s0 =	sadd.s32 @!p0 $0x100000, s0;
	[bflag:$0x2] =	sbarrier.arrive $0xFFFF  }
0x3a: {  	[sflag:s0] =	ssyncadd.tile.s32 @!p0 $0x1;
	_ =	shalt  }
.Lfunc_end2:
_tile_overlayer_lowered:
.L_overlay_start_2:
0x3b: {  	(tag) =	ssettag $0x2  }
0x3c: {  	s0 =	rddreg [dreg:$0x0];
	s2 =	stileid.u32  }
0x3d: {  	s1 =	rddreg [dreg:$0x1];
	p0 =	sne.s32 s2, $0x0  }
0x3e: {  	s3 =	rddreg [dreg:$0x2];
	[bflag:$0x3] =	sbarrier.arrive $0xFFFF;
	s2 =	simm.s32 @!p0 $0x1C01  }
0x3f: {  	[timem:s3], [sflag:s2] =	dma.local @!p0 [hbm:s0], s1  }
0x40: {  	s0 =	simm.s32 @!p0 $0x1  }
0x41: {  	_ =	swait.ge @!p0 [sflag:s0], s1  }
0x42: {  	s1 =	ssub.s32 @!p0 $0x0, s1;
	[sflag:s0] =	ssyncset.done @!p0 $0x0  }
0x43: {  	[sflag:s0] =	ssyncadd.s32 @!p0 s1  }
0x44: {  	[bflag:$0x3] =	sbarrier.arrive $0xFFFF  }
0x45: {  	_ =	shalt  }

// kernel: kernel.17.cloned.1.call-start
scs
__scs_entry_jumppad:
0x0: {  	(pc) =	sbr.rel $0x88, $3  }
0x1: {  	(tag) =	ssettag $0x0;
	lr =	simm.s32 $0x1  }
0x2: {  	[smem:$0x3F90] =	sst lr;
	_ =	strace $0xD0000000  }
0x3: {  	_ = 	snop  }
0x4: {  	_ = 	snop  }
0x5: {  	_ = 	snop  }
0x6: {  	_ = 	snop  }
0x7: {  	_ = 	snop  }
__scs_overlays_trampoline_lowered:
0x8: {  	[smem:$0x3F9F] =	sst s0  }
0x9: {  	[smem:$0x3FA0] =	sst s1  }
0xa: {  	[smem:$0x3FA1] =	sst s2  }
0xb: {  	[smem:$0x3FA2] =	sst s3  }
0xc: {  	[smem:$0x3FA3] =	sst s4  }
0xd: {  	[smem:$0x3FA4] =	sst s5  }
0xe: {  	[smem:$0x3FA5] =	sst s6  }
0xf: {  	[smem:$0x3FA6] =	sst s7  }
0x10: {  	[smem:$0x3FA7] =	sst s8  }
0x11: {  	[smem:$0x3FA8] =	sst s9;
	s0 =	simm.s32 @!p0 $0x0  }
0x12: {  	s1 =	sld [smem:$0x3F8E];
	s0 =	simm.s32 @p0 $0x1  }
0x13: {  	[smem:$0x3FA9] =	sst s0;
	s0 =	simm.s32 @!p1 $0x0  }
0x14: {  	s2 =	sld [smem:$0x3F8D];
	s0 =	simm.s32 @p1 $0x1  }
0x15: {  	[smem:$0x3FAA] =	sst s0;
	s0 =	simm.s32 @!p2 $0x0  }
0x16: {  	s3 =	sld [smem:$0x3FDB];
	s0 =	simm.s32 @p2 $0x1  }
0x17: {  	s4 =	simm.s32 $0x1BF5;
	[smem:$0x3FAC] =	sst s0  }
0x18: {  	s0 =	sld [smem:$0x3F8F];
	_ =	swait.ge [sflag:s4], $0x0  }
0x19: {  	s7 =	sld [smem:$0x3F90]  }
0x1a: {  	s8 =	sadd.s32 $0xFFFFE003, lr  }
0x1b: {  	s9 =	sadd.s32 $0xFFFFFEF7, lr;
	s5 =	simm.s32 $0xFFFFFFFF;
	p2 =	slt.u32 s8, $0xFFFFF086  }
0x1c: {  	p1 =	slt.u32 s9, $0xF7A;
	s5 =	simm.s32 @!p2 $0x0  }
0x1d: {  	s5 =	simm.s32 @p1 $0x1;
	p0 =	seq.s32 s7, s2  }
0x1e: {  	s7 =	smul.u32 @!p0 $0xF7A, s2;
	p2 =	seq.s32 @!p0 s5, $0x0  }
0x1f: {  	s9 =	smul.u32 $0xF7A, s1;
	s8 =	simm.s32 @!p0 $0x1BF5;
	p2 =	por !p2, p0  }
0x20: {  	[sflag:s8] =	ssyncset.s32 @!p0 $0xFFFFF086;
	s6 =	sadd.s32 @!p0 s3, s7;
	s7 =	simm.s32 @!p0 $0x108  }
0x21: {  	s3 =	sadd.s32 s3, s9;
	s6 =	sadd.s32 @!p0 $0x88, s6;
	s7 =	simm.s32 @p2 $0x1082  }
0x22: {  	[simem:s7], [sflag:s8] =	dma.local @!p0 [hbm:s6], $0xF7A  }
0x23: {  	s9 =	sor.u32 $0xD0000000, s2;
	s6 =	simm.s32 $0x108;
	_ =	swait.ge @!p0 [sflag:s8], $0x0  }
0x24: {  	s3 =	sadd.s32 $0x88, s3;
	s6 =	simm.s32 @!p1 $0x1082;
	[sflag:s4] =	ssyncset.s32 $0xFFFFF086  }
0x25: {  	[simem:s6], [sflag:s4] =	dma.local [hbm:s3], $0xF7A  }
0x26: {  	[smem:$0x3F90] =	sst s1;
	(tag) =	ssettag s2;
	_ =	strace s9  }
0x27: {  	s1 =	sld [smem:$0x3FA0]  }
0x28: {  	s2 =	sld [smem:$0x3FA1]  }
0x29: {  	s4 =	sld [smem:$0x3FA3]  }
0x2a: {  	p0 =	seq.s32 s5, $0x0;
	s5 =	sld [smem:$0x3FA4]  }
0x2b: {  	s6 =	sld [smem:$0x3FA5]  }
0x2c: {  	s7 =	sld [smem:$0x3FA6]  }
0x2d: {  	s3 =	simm.s32 $0x108;
	s8 =	sld [smem:$0x3FA7]  }
0x2e: {  	s3 =	simm.s32 @!p0 $0x1082;
	s9 =	sld [smem:$0x3FA8]  }
0x2f: {  	lr =	sadd.s32 s0, s3;
	s0 =	sld [smem:$0x3F9F]  }
0x30: {  	s3 =	sld [smem:$0x3FA2]  }
0x31: {  	[smem:$0x3FAB] =	sst s10  }
0x32: {  	s10 =	sld [smem:$0x3FA9];
	_ =	sdelay $0x3  }
0x33: {  	p0 =	seq.s32 s10, $0x1;
	s10 =	sld [smem:$0x3FAB];
	_ =	sdelay $0x3  }
0x34: {  	[smem:$0x3FAB] =	sst s10  }
0x35: {  	s10 =	sld [smem:$0x3FAA];
	_ =	sdelay $0x3  }
0x36: {  	p1 =	seq.s32 s10, $0x1;
	s10 =	sld [smem:$0x3FAB];
	_ =	sdelay $0x3  }
0x37: {  	[smem:$0x3FAB] =	sst s10  }
0x38: {  	s10 =	sld [smem:$0x3FAC]  }
0x39: {  	_ = 	snop;
	(pc) =	sbr.ind lr, $3  }
0x3a: {  	_ = 	snop  }
0x3b: {  	_ = 	snop  }
0x3c: {  	p2 =	seq.s32 s10, $0x1;
	s10 =	sld [smem:$0x3FAB]  }
0x3d: {  	_ =	shalt  }
0x3e: {  	_ =	shalt  }
0x3f: {  	_ =	shalt  }
0x40: {  	_ =	shalt  }
0x41: {  	_ =	shalt  }
0x42: {  	_ =	shalt  }
0x43: {  	_ =	shalt  }
0x44: {  	_ =	shalt  }
0x45: {  	_ =	shalt  }
0x46: {  	_ =	shalt  }
0x47: {  	_ =	shalt  }
0x48: {  	_ =	shalt  }
0x49: {  	_ =	shalt  }
0x4a: {  	_ =	shalt  }
0x4b: {  	_ =	shalt  }
0x4c: {  	_ =	shalt  }
0x4d: {  	_ =	shalt  }
0x4e: {  	_ =	shalt  }
0x4f: {  	_ =	shalt  }
0x50: {  	_ =	shalt  }
0x51: {  	_ =	shalt  }
0x52: {  	_ =	shalt  }
0x53: {  	_ =	shalt  }
0x54: {  	_ =	shalt  }
0x55: {  	_ =	shalt  }
0x56: {  	_ =	shalt  }
0x57: {  	_ =	shalt  }
0x58: {  	_ =	shalt  }
0x59: {  	_ =	shalt  }
0x5a: {  	_ =	shalt  }
0x5b: {  	_ =	shalt  }
0x5c: {  	_ =	shalt  }
0x5d: {  	_ =	shalt  }
0x5e: {  	_ =	shalt  }
0x5f: {  	_ =	shalt  }
0x60: {  	_ =	shalt  }
0x61: {  	_ =	shalt  }
0x62: {  	_ =	shalt  }
0x63: {  	_ =	shalt  }
0x64: {  	_ =	shalt  }
0x65: {  	_ =	shalt  }
0x66: {  	_ =	shalt  }
0x67: {  	_ =	shalt  }
0x68: {  	_ =	shalt  }
0x69: {  	_ =	shalt  }
0x6a: {  	_ =	shalt  }
0x6b: {  	_ =	shalt  }
0x6c: {  	_ =	shalt  }
0x6d: {  	_ =	shalt  }
0x6e: {  	_ =	shalt  }
0x6f: {  	_ =	shalt  }
0x70: {  	_ =	shalt  }
0x71: {  	_ =	shalt  }
0x72: {  	_ =	shalt  }
0x73: {  	_ =	shalt  }
0x74: {  	_ =	shalt  }
0x75: {  	_ =	shalt  }
0x76: {  	_ =	shalt  }
0x77: {  	_ =	shalt  }
0x78: {  	_ =	shalt  }
0x79: {  	_ =	shalt  }
0x7a: {  	_ =	shalt  }
0x7b: {  	_ =	shalt  }
0x7c: {  	_ =	shalt  }
0x7d: {  	_ =	shalt  }
0x7e: {  	_ =	shalt  }
0x7f: {  	_ =	shalt  }
0x80: {  	_ =	shalt  }
0x81: {  	_ =	shalt  }
0x82: {  	_ =	shalt  }
0x83: {  	_ =	shalt  }
0x84: {  	_ =	shalt  }
0x85: {  	_ =	shalt  }
0x86: {  	_ =	shalt  }
0x87: {  	_ =	shalt  }
.Lfunc_end0:
.L_simem_size_0:
called_computation.1_lowered:
.L_overlay_start_0:
0x88: {  	s2 =	sld [smem:$0x3FD9]  }
0x89: {  	s3 =	sld [smem:$0x3FFE];
	_ =	sdelay $0x1  }
0x8a: {  	s1 =	srdreg.scid  }
0x8b: {  	s0 =	sand.u32 $0x1, s1  }
0x8c: {  	s17 =	sshll.u32 s0, $0xA;
	s2 =	sadd.s32 s3, s2  }
0x8d: {  	s2 =	sadd.s32 s2, s17  }
0x8e: {  	[smem:$0x3FB7] =	sst s2  }
0x8f: {  	_ = 	snop  }
0x90: {  	(tm) =	ssettm $0x1  }
0x91: {  	s18 =	sld [smem:$0x3FFB];
	_ =	sdelay $0x3  }
0x92: {  	_ =	strace s18  }
0x93: {  	s2 =	sld [smem:$0x3FFC];
	_ =	sdelay $0x3  }
0x94: {  	_ =	strace s2  }
0x95: {  	s2 =	sld [smem:$0x3FFD];
	_ =	sdelay $0x3  }
0x96: {  	_ =	strace s2  }
0x97: {  	_ =	strace $0x8FFFFFFF  }
0x98: {  	s19 =	sld [smem:$0x3FDB];
	_ =	sdelay $0x1  }
0x99: {  	s20 =	simm.s32 $_scs_section_size  }
0x9a: {  	s4 =	simm.s32 $_size__tile_overlayer_lowered;
	s5 =	simm.s32 $_tile_overlayer_lowered  }
0x9b: {  	s6 =	simm.s32 $0x1BFF;
	s21 =	sshll.u32 s5, $0x1;
	s3 =	sadd.s32 s20, s19  }
0x9c: {  	s22 =	simm.s32 $0x0;
	s4 =	sshll.u32 s4, $0x1;
	s5 =	sadd.s32 s21, s3  }
0x9d: {  	[timem:s22], [sflag:s6] =	dma.local [hbm:s5], s4  }
0x9e: {  	_ =	swait.ge [sflag:s6], s4  }
0x9f: {  	s4 =	ssub.s32 $0x0, s4;
	[sflag:s6] =	ssyncset.done $0x0  }
0xa0: {  	[sflag:s6] =	ssyncadd.s32 s4;
	_ =	sdelay $0x1  }
0xa1: {  	s23 =	simm.s32 $0x1B8B  }
0xa2: {  	_ =	swait.ge [sflag:s23], $0x1  }
0xa3: {  	[sflag:s23] =	ssyncset.done $0x0  }
0xa4: {  	[sflag:s23] =	ssyncadd.s32 $0xFFFFFFFF  }
0xa5: {  	s4 =	sld [smem:$0x0]  }
0xa6: {  	s5 =	sand.u32 $0xFFFFFFFE, s1  }
0xa7: {  	p0 =	sne.s32 s1, s5  }
0xa8: {  	s5 =	sshll.u32 @p0 s5, $0xE  }
0xa9: {  	s5 =	sadd.s32 @p0 $0x11B8D, s5;
	s6 =	sshll.u32 @p0 s4, $0x11  }
0xaa: {  	s5 =	sor.u32 @p0 s6, s5  }
0xab: {  	[sflag:s5] =	ssyncadd.remote.s32 @p0 $0x1;
	_ =	sdelay $0x1  }
0xac: {  	s5 =	simm.s32 @p0 $0x1B8D  }
0xad: {  	_ =	swait.eq @p0 [sflag:s5], $0x1  }
0xae: {  	[sflag:s5] =	ssyncadd.s32 @p0 $0xFFFFFFFF  }
0xaf: {  	s6 =	sshll.u32 @!p0 s1, $0xE  }
0xb0: {  	s6 =	sor.u32 @!p0 $0x4000, s6;
	s5 =	simm.s32 @!p0 $0x1B8D  }
0xb1: {  	s4 =	sshll.u32 @!p0 s4, $0x11;
	s6 =	sadd.s32 @!p0 $0x11B8D, s6;
	_ =	swait.eq @!p0 [sflag:s5], $0x1  }
0xb2: {  	s4 =	sor.u32 @!p0 s4, s6;
	[sflag:s5] =	ssyncadd.s32 @!p0 $0xFFFFFFFF  }
0xb3: {  	s25 =	simm.s32 $0x1B8E;
	s24 =	sld [smem:$0x3FFE];
	[sflag:s4] =	ssyncadd.remote.s32 @!p0 $0x1  }
0xb4: {  	s26 =	simm.s32 $execute0_lowered;
	[smem:$0x3FD2] =	sst s25  }
0xb5: {  	s5 =	sshll.u32 s26, $0x1;
	_ =	strace $0x80000049;
	[dreg:$0x1] =	wrdreg $0xFFFFFFFF  }
0xb6: {  	s28 =	simm.s32 $_size_execute0_lowered;
	s3 =	sadd.s32 s3, s5;
	[dreg:$0x0] =	wrdreg $0x0  }
0xb7: {  	s5 =	sshll.u32 s28, $0x1;
	[dreg:$0x2] =	wrdreg s3  }
0xb8: {  	[dreg:$0x3] =	wrdreg s5  }
0xb9: {  	[dreg:$0x4] =	wrdreg $0xC0  }
0xba: {  	_ =	task [dreg:s22], $0x5FFFF  }
0xbb: {  	[dreg:$0x1] =	wrdreg $0xFFFFFFFF  }
0xbc: {  	[dreg:$0x0] =	wrdreg $0x60  }
0xbd: {  	[dreg:$0x2] =	wrdreg s24  }
0xbe: {  	[dreg:$0x3] =	wrdreg $0x82000  }
0xbf: {  	[dreg:$0x4] =	wrdreg $0xA  }
0xc0: {  	_ =	task.clear_ibuf [dreg:s22], $0x5FFFF;
	_ =	strace $0x90000049  }
0xc1: {  	s29 =	simm.s32 $0xA;
	_ =	strace $0x8000004B  }
0xc2: {  	_ =	swait.ge [sflag:s29], $0x1  }
0xc3: {  	[sflag:s29] =	ssyncadd.s32 $0xFFFFFFFF  }
0xc4: {  	_ =	strace $0x9000004B  }
0xc5: {  	_ =	sfence  }
0xc6: {  	s30 =	sld [smem:$0x0];
	_ =	sdelay $0x2  }
0xc7: {  	s31 =	sshll.u32 s1, $0xD;
	s1 =	sshrl.u32 s1, $0x2  }
0xc8: {  	s4 =	sand.u32 $0x4000, s31;
	s1 =	sadd.s32 s1, s30  }
0xc9: {  	s0 =	sor.u32 s4, s0;
	s1 =	sshll.u32 s1, $0x11  }
0xca: {  	s0 =	sor.u32 s1, s0  }
0xcb: {  	s0 =	sadd.s32 $0x8F2B, s0  }
0xcc: {  	[sflag:s0] =	ssyncadd.remote.s32 $0x1  }
0xcd: {  	_ =	sfence.sel $0xFFFF  }
0xce: {  	[dreg:$0x0] =	wrdreg $0xFFFFFFFF;
	(pc) =	sbr.abs _section_cstart, $3  }
0xcf: {  	[dreg:$0x1] =	wrdreg $0xFFFFFFFF  }
0xd0: {  	_ =	task.clear_ibuf [dreg:s22], $0x2FFFF;
	_ =	strace $0x9FFFFFFF  }
0xd1: {  	(tm) =	ssettm $0x7FFFFFFF  }
tec
execute0_lowered:
.L_overlay_start_1:
0x0: {  	(tag) =	ssettag $0x1  }
0x1: {  	s6 =	rddreg [dreg:$0x0]  }
0x2: {  	s1 =	rddreg [dreg:$0x1]  }
0x3: {  	s0 =	rddreg [dreg:$0x2]  }
0x4: {  	s3 =	simm.s32 $0x0;
	s4 =	srdreg.scid;
	s2 =	stileid.u32  }
0x5: {  	s19 =	simm.s32 $0x80;
	s20 =	simm.s32 $0x200;
	s21 =	simm.s32 $0x180  }
0x6: {  	s22 =	simm.s32 $0x4200;
	s23 =	simm.s32 $0x1;
	s24 =	simm.s32 $0x2  }
0x7: {  	s25 =	simm.s32 $0x0;
	[smem:$0x7FF] =	sst s3;
	s7 =	sand.u32 $0x1, s4  }
0x8: {  	s8 =	smul.u32 $0x2800, s2;
	s15 =	sadd.s32 $0xB00400, s6;
	s13 =	sadd.s32 $0x8C00, s6  }
0x9: {  	s4 =	sadd.s32 $0xDC00, s6;
	s10 =	smul.u32 $0x50000, s2;
	s5 =	sadd.s32 $0x5B0400, s6  }
0xa: {  	s28 =	sshll.u32 s2, $0x6;
	s9 =	smul.u32 $0x28000, s7;
	s7 =	ssub.s32 $0x2, s7  }
0xb: {  	s17 =	smul.u32 $0x500, s2;
	_ =	strace $0x8000004A;
	s26 =	sshrl.u32 s7, $0x1  }
0xc: {  	s10 =	sshrl.u32 s10, $0x2;
	s14 =	sadd.s32 s8, s9;
	s11 =	ssub.s32 s7, s26  }
0xd: {  	s16 =	sadd.s32 s10, s1;
	s8 =	sshrl.u32 s8, $0x3;
	s9 =	sadd.s32 s14, s6  }
0xe: {  	s6 =	sor.u32 $0x1C03, s28;
	s29 =	sshrl.u32 s14, $0x3;
	s8 =	sadd.s32 s13, s8  }
0xf: {  	s10 =	smax.u32 s11, $0x1;
	s18 =	sor.u32 $0x80, s14;
	s14 =	sor.u32 $0x100, s14  }
0x10: {  	s13 =	sadd.s32 s17, s13;
	s16 =	sshrl.u32 s16, $0x3;
	s17 =	simm.s32 $0x3  }
0x11: {  	s7 =	sadd.s32 s15, s29;
	s9 =	sadd.s32 $0xB0A400, s9;
	s12 =	sadd.s32 $0x4F0, s8  }
0x12: {  	s30 =	sshrl.u32 s18, $0x3;
	s31 =	sshrl.u32 s14, $0x3;
	s18 =	simm.s32 $0x100  }
0x13: {  	s11 =	sadd.s32 $0x4F0, s7;
	s14 =	sadd.s32 s30, s15;
	s15 =	sadd.s32 s31, s15  }
.LBB2_1:
0x14: {  	[spmem:s16], [sflag:s6] =	dma.local [hbm:s4], $0x2800  }
0x15: {  	_ =	swait.ge [sflag:s17], $0x2800  }
0x16: {  	[sflag:s17] =	ssyncset.done $0x0  }
0x17: {  	[sflag:s17] =	ssyncadd.s32 $0xFFFFD800  }
0x18: {  	[bflag:$0x0] =	sbarrier.arrive $0xFFFF  }
0x19: {  	[tilespmem:s3], [sflag:$0x3] =	stream.linear.gather [hbm4b:s7+s3], $0x80, $0x38;
	[tilespmem:$0x1C200] =	vst v63  }
0x1a: {  	_ =	swait.ge [sflag:s17], $0x80  }
0x1b: {  	[sflag:s17] =	ssyncset.done $0x0  }
0x1c: {  	[sflag:s17] =	ssyncadd.s32 $0xFFFFFF80  }
0x1d: {  	[tilespmem:s18], [sflag:$0x3] =	stream.linear.gather [hbm4b:s8+s3], $0x80, $0x38;
	[tilespmem:$0x1C200] =	vst v63  }
0x1e: {  	_ =	swait.ge [sflag:s17], $0x80  }
0x1f: {  	[sflag:s17] =	ssyncset.done $0x0  }
0x20: {  	[sflag:s17] =	ssyncadd.s32 $0xFFFFFF80  }
0x21: {  	[tilespmem:s20], [sflag:$0x1] =	stream.indirect.gather [hbm4b:s5+s19], $0x80, s3, s19, $0xb8;
	[tilespmem:$0x1C200] =	vst v63  }
0x22: {  	s26 =	sadd.s32 $0x0, s14  }
0x23: {  	[tilespmem:s19], [sflag:$0x3] =	stream.linear.gather [hbm4b:s26+s3], $0x80, $0x38;
	[tilespmem:$0x1C200] =	vst v63  }
0x24: {  	_ =	swait.ge [sflag:s17], $0x80  }
0x25: {  	s30 =	sadd.s32 $0x0, s13;
	[sflag:s17] =	ssyncset.done $0x0  }
0x26: {  	s28 =	sadd.s32 $0x10, s30;
	[sflag:s17] =	ssyncadd.s32 $0xFFFFFF80  }
0x27: {  	[tilespmem:s21], [sflag:$0x3] =	stream.linear.gather [hbm4b:s28+s3], $0x80, $0x38;
	[tilespmem:$0x1C200] =	vst v63  }
0x28: {  	_ =	swait.ge [sflag:s17], $0x80  }
0x29: {  	[sflag:s17] =	ssyncset.done $0x0  }
0x2a: {  	[sflag:s17] =	ssyncadd.s32 $0xFFFFFF80  }
0x2b: {  	[tilespmem:s22], [sflag:$0x2] =	stream.indirect.gather [hbm4b:s5+s19], $0x80, s19, s19, $0xb8;
	[tilespmem:$0x1C200] =	vst v63  }
0x2c: {  	_ =	swait.ge [sflag:s23], $0x4000  }
0x2d: {  	[sflag:s23] =	ssyncset.done $0x0  }
0x2e: {  	[sflag:s23] =	ssyncadd.s32 $0xFFFFC000  }
0x2f: {  	[spmem:s1] =	stream.indirect.scatter.add.f32 [tilespmem:s20], [sflag:$0x3], $0x80, s18, s19, $0xb8;
	[tilespmem:$0x1C200] =	vst v63  }
0x30: {  	_ =	swait.ge [sflag:s17], $0x4000  }
0x31: {  	[sflag:s17] =	ssyncset.done $0x0  }
0x32: {  	s31 =	sadd.s32 $0x0, s15;
	[sflag:s17] =	ssyncadd.s32 $0xFFFFC000  }
0x33: {  	[tilespmem:s3], [sflag:$0x3] =	stream.linear.gather [hbm4b:s31+s3], $0x80, $0x38;
	[tilespmem:$0x1C200] =	vst v63  }
0x34: {  	_ =	swait.ge [sflag:s17], $0x80  }
0x35: {  	[sflag:s17] =	ssyncset.done $0x0  }
0x36: {  	s26 =	sadd.s32 $0x20, s30;
	[sflag:s17] =	ssyncadd.s32 $0xFFFFFF80  }
0x37: {  	[tilespmem:s18], [sflag:$0x3] =	stream.linear.gather [hbm4b:s26+s3], $0x80, $0x38;
	[tilespmem:$0x1C200] =	vst v63  }
0x38: {  	_ =	swait.ge [sflag:s17], $0x80  }
0x39: {  	[sflag:s17] =	ssyncset.done $0x0  }
0x3a: {  	[sflag:s17] =	ssyncadd.s32 $0xFFFFFF80  }
0x3b: {  	[tilespmem:s20], [sflag:$0x1] =	stream.indirect.gather [hbm4b:s5+s19], $0x80, s3, s19, $0xb8;
	[tilespmem:$0x1C200] =	vst v63  }
0x3c: {  	_ =	swait.ge [sflag:s24], $0x4000  }
0x3d: {  	[sflag:s24] =	ssyncset.done $0x0  }
0x3e: {  	[sflag:s24] =	ssyncadd.s32 $0xFFFFC000  }
0x3f: {  	[spmem:s1] =	stream.indirect.scatter.add.f32 [tilespmem:s22], [sflag:$0x3], $0x80, s21, s19, $0xb8;
	[tilespmem:$0x1C200] =	vst v63  }
0x40: {  	_ =	swait.ge [sflag:s17], $0x4000  }
0x41: {  	s29 =	simm.s32 $0x40;
	s26 =	simm.s32 $0x20;
	[sflag:s17] =	ssyncset.done $0x0  }
.LBB2_2:
0x42: {  	s30 =	sadd.s32 s26, s14  }
0x43: {  	[sflag:s17] =	ssyncadd.s32 $0xFFFFC000;
	s31 =	smov.u32 s29;
	s28 =	sadd.s32 $0x20, s29  }
0x44: {  	[tilespmem:s19], [sflag:$0x3] =	stream.linear.gather [hbm4b:s30+s3], $0x80, $0x38;
	[tilespmem:$0x1C200] =	vst v63  }
0x45: {  	p0 =	sne.s32 s29, $0x4C0;
	_ =	swait.ge [sflag:s17], $0x80  }
0x46: {  	s29 =	sadd.s32 s26, s13;
	[sflag:s17] =	ssyncset.done $0x0  }
0x47: {  	s30 =	sadd.s32 $0x10, s29;
	[sflag:s17] =	ssyncadd.s32 $0xFFFFFF80  }
0x48: {  	[tilespmem:s21], [sflag:$0x3] =	stream.linear.gather [hbm4b:s30+s3], $0x80, $0x38;
	[tilespmem:$0x1C200] =	vst v63  }
0x49: {  	_ =	swait.ge [sflag:s17], $0x80  }
0x4a: {  	[sflag:s17] =	ssyncset.done $0x0  }
0x4b: {  	[sflag:s17] =	ssyncadd.s32 $0xFFFFFF80  }
0x4c: {  	[tilespmem:s22], [sflag:$0x2] =	stream.indirect.gather [hbm4b:s5+s19], $0x80, s19, s19, $0xb8;
	[tilespmem:$0x1C200] =	vst v63  }
0x4d: {  	_ =	swait.ge [sflag:s23], $0x4000  }
0x4e: {  	[sflag:s23] =	ssyncset.done $0x0  }
0x4f: {  	[sflag:s23] =	ssyncadd.s32 $0xFFFFC000  }
0x50: {  	[spmem:s1] =	stream.indirect.scatter.add.f32 [tilespmem:s20], [sflag:$0x3], $0x80, s18, s19, $0xb8;
	[tilespmem:$0x1C200] =	vst v63  }
0x51: {  	_ =	swait.ge [sflag:s17], $0x4000  }
0x52: {  	[sflag:s17] =	ssyncset.done $0x0  }
0x53: {  	s30 =	sadd.s32 s26, s15;
	s26 =	smov.u32 s31;
	[sflag:s17] =	ssyncadd.s32 $0xFFFFC000  }
0x54: {  	[tilespmem:s3], [sflag:$0x3] =	stream.linear.gather [hbm4b:s30+s3], $0x80, $0x38;
	[tilespmem:$0x1C200] =	vst v63  }
0x55: {  	_ =	swait.ge [sflag:s17], $0x80  }
0x56: {  	[sflag:s17] =	ssyncset.done $0x0  }
0x57: {  	s29 =	sadd.s32 $0x20, s29;
	[sflag:s17] =	ssyncadd.s32 $0xFFFFFF80  }
0x58: {  	[tilespmem:s18], [sflag:$0x3] =	stream.linear.gather [hbm4b:s29+s3], $0x80, $0x38;
	[tilespmem:$0x1C200] =	vst v63  }
0x59: {  	_ =	swait.ge [sflag:s17], $0x80  }
0x5a: {  	[sflag:s17] =	ssyncset.done $0x0  }
0x5b: {  	[sflag:s17] =	ssyncadd.s32 $0xFFFFFF80  }
0x5c: {  	[tilespmem:s20], [sflag:$0x1] =	stream.indirect.gather [hbm4b:s5+s19], $0x80, s3, s19, $0xb8;
	[tilespmem:$0x1C200] =	vst v63  }
0x5d: {  	_ =	swait.ge [sflag:s24], $0x4000  }
.Ltmp0:
0x5e: {  	[sflag:s24] =	ssyncset.done $0x0;
	(pc) =	sbr.rel @p0 .LBB2_2-.Ltmp0, $4  }
0x5f: {  	[sflag:s24] =	ssyncadd.s32 $0xFFFFC000  }
0x60: {  	[spmem:s1] =	stream.indirect.scatter.add.f32 [tilespmem:s22], [sflag:$0x3], $0x80, s21, s19, $0xb8;
	[tilespmem:$0x1C200] =	vst v63  }
0x61: {  	_ =	swait.ge [sflag:s17], $0x4000  }
0x62: {  	s29 =	smov.u32 s28;
	[sflag:s17] =	ssyncset.done $0x0  }
0x63: {  	s28 =	sadd.s32 s26, s14;
	[sflag:s17] =	ssyncadd.s32 $0xFFFFC000  }
0x64: {  	[tilespmem:s19], [sflag:$0x3] =	stream.linear.gather [hbm4b:s28+s3], $0x80, $0x38;
	[tilespmem:$0x1C200] =	vst v63  }
0x65: {  	_ =	swait.ge [sflag:s17], $0x80  }
0x66: {  	s31 =	sadd.s32 s26, s13;
	[sflag:s17] =	ssyncset.done $0x0  }
0x67: {  	s29 =	sadd.s32 $0x10, s31;
	[sflag:s17] =	ssyncadd.s32 $0xFFFFFF80  }
0x68: {  	[tilespmem:s21], [sflag:$0x3] =	stream.linear.gather [hbm4b:s29+s3], $0x80, $0x38;
	[tilespmem:$0x1C200] =	vst v63  }
0x69: {  	_ =	swait.ge [sflag:s17], $0x80  }
0x6a: {  	[sflag:s17] =	ssyncset.done $0x0  }
0x6b: {  	[sflag:s17] =	ssyncadd.s32 $0xFFFFFF80  }
0x6c: {  	[tilespmem:s22], [sflag:$0x2] =	stream.indirect.gather [hbm4b:s5+s19], $0x80, s19, s19, $0xb8;
	[tilespmem:$0x1C200] =	vst v63  }
0x6d: {  	_ =	swait.ge [sflag:s23], $0x4000  }
0x6e: {  	[sflag:s23] =	ssyncset.done $0x0  }
0x6f: {  	[sflag:s23] =	ssyncadd.s32 $0xFFFFC000  }
0x70: {  	[spmem:s1] =	stream.indirect.scatter.add.f32 [tilespmem:s20], [sflag:$0x3], $0x80, s18, s19, $0xb8;
	[tilespmem:$0x1C200] =	vst v63  }
0x71: {  	_ =	swait.ge [sflag:s17], $0x4000  }
0x72: {  	[sflag:s17] =	ssyncset.done $0x0  }
0x73: {  	s30 =	sadd.s32 s26, s15;
	[sflag:s17] =	ssyncadd.s32 $0xFFFFC000  }
0x74: {  	[tilespmem:s3], [sflag:$0x3] =	stream.linear.gather [hbm4b:s30+s3], $0x80, $0x38;
	[tilespmem:$0x1C200] =	vst v63  }
0x75: {  	_ =	swait.ge [sflag:s17], $0x80  }
0x76: {  	[sflag:s17] =	ssyncset.done $0x0  }
0x77: {  	s31 =	sadd.s32 $0x20, s31;
	[sflag:s17] =	ssyncadd.s32 $0xFFFFFF80  }
0x78: {  	[tilespmem:s18], [sflag:$0x3] =	stream.linear.gather [hbm4b:s31+s3], $0x80, $0x38;
	[tilespmem:$0x1C200] =	vst v63  }
0x79: {  	_ =	swait.ge [sflag:s17], $0x80  }
0x7a: {  	[sflag:s17] =	ssyncset.done $0x0  }
0x7b: {  	[sflag:s17] =	ssyncadd.s32 $0xFFFFFF80  }
0x7c: {  	[tilespmem:s20], [sflag:$0x1] =	stream.indirect.gather [hbm4b:s5+s19], $0x80, s3, s19, $0xb8;
	[tilespmem:$0x1C200] =	vst v63  }
0x7d: {  	_ =	swait.ge [sflag:s24], $0x4000  }
0x7e: {  	[sflag:s24] =	ssyncset.done $0x0  }
0x7f: {  	[sflag:s24] =	ssyncadd.s32 $0xFFFFC000  }
0x80: {  	[spmem:s1] =	stream.indirect.scatter.add.f32 [tilespmem:s22], [sflag:$0x3], $0x80, s21, s19, $0xb8;
	[tilespmem:$0x1C200] =	vst v63  }
0x81: {  	_ =	swait.ge [sflag:s17], $0x4000  }
0x82: {  	[sflag:s17] =	ssyncset.done $0x0  }
0x83: {  	[sflag:s17] =	ssyncadd.s32 $0xFFFFC000  }
0x84: {  	[tilespmem:s19], [sflag:$0x3] =	stream.linear.gather [hbm4b:s11+s3], $0x80, $0x38;
	[tilespmem:$0x1C200] =	vst v63  }
0x85: {  	_ =	swait.ge [sflag:s17], $0x80  }
0x86: {  	[sflag:s17] =	ssyncset.done $0x0  }
0x87: {  	[sflag:s17] =	ssyncadd.s32 $0xFFFFFF80  }
0x88: {  	[tilespmem:s21], [sflag:$0x3] =	stream.linear.gather [hbm4b:s12+s3], $0x80, $0x38;
	[tilespmem:$0x1C200] =	vst v63  }
0x89: {  	_ =	swait.ge [sflag:s17], $0x80  }
0x8a: {  	[sflag:s17] =	ssyncset.done $0x0  }
0x8b: {  	[sflag:s17] =	ssyncadd.s32 $0xFFFFFF80  }
0x8c: {  	[tilespmem:s22], [sflag:$0x2] =	stream.indirect.gather [hbm4b:s5+s19], $0x80, s19, s19, $0xb8;
	[tilespmem:$0x1C200] =	vst v63  }
0x8d: {  	_ =	swait.ge [sflag:s23], $0x4000  }
0x8e: {  	[sflag:s23] =	ssyncset.done $0x0  }
0x8f: {  	[sflag:s23] =	ssyncadd.s32 $0xFFFFC000  }
0x90: {  	[spmem:s1] =	stream.indirect.scatter.add.f32 [tilespmem:s20], [sflag:$0x3], $0x80, s18, s19, $0xb8;
	[tilespmem:$0x1C200] =	vst v63  }
0x91: {  	_ =	swait.ge [sflag:s17], $0x4000  }
0x92: {  	[sflag:s17] =	ssyncset.done $0x0  }
0x93: {  	[sflag:s17] =	ssyncadd.s32 $0xFFFFC000  }
0x94: {  	[tilespmem:s3], [sflag:$0x3] =	stream.linear.gather [hbm4b:s7+s3], $0x80, $0x38;
	[tilespmem:$0x1C200] =	vst v63  }
0x95: {  	_ =	swait.ge [sflag:s17], $0x80  }
0x96: {  	[sflag:s17] =	ssyncset.done $0x0  }
0x97: {  	[sflag:s17] =	ssyncadd.s32 $0xFFFFFF80  }
0x98: {  	[tilespmem:s18], [sflag:$0x3] =	stream.linear.gather [hbm4b:s8+s3], $0x80, $0x38;
	[tilespmem:$0x1C200] =	vst v63  }
0x99: {  	_ =	swait.ge [sflag:s17], $0x80  }
0x9a: {  	[sflag:s17] =	ssyncset.done $0x0  }
0x9b: {  	[sflag:s17] =	ssyncadd.s32 $0xFFFFFF80  }
0x9c: {  	[tilespmem:s20], [sflag:$0x1] =	stream.indirect.gather [hbm4b:s5+s19], $0x80, s3, s19, $0xb8;
	[tilespmem:$0x1C200] =	vst v63  }
0x9d: {  	_ =	swait.ge [sflag:s24], $0x4000  }
0x9e: {  	[sflag:s24] =	ssyncset.done $0x0  }
0x9f: {  	[sflag:s24] =	ssyncadd.s32 $0xFFFFC000  }
0xa0: {  	[spmem:s1] =	stream.indirect.scatter.add.f32 [tilespmem:s22], [sflag:$0x3], $0x80, s21, s19, $0xb8;
	[tilespmem:$0x1C200] =	vst v63  }
0xa1: {  	_ =	swait.ge [sflag:s17], $0x4000  }
0xa2: {  	[sflag:s17] =	ssyncset.done $0x0  }
0xa3: {  	[sflag:s17] =	ssyncadd.s32 $0xFFFFC000  }
0xa4: {  	_ =	swait.ge [sflag:s23], $0x4000  }
0xa5: {  	s25 =	sadd.s32 $0x1, s25;
	[sflag:s23] =	ssyncset.done $0x0  }
0xa6: {  	p0 =	sne.s32 s25, s10;
	[sflag:s23] =	ssyncadd.s32 $0xFFFFC000  }
.Ltmp1:
0xa7: {  	[bflag:$0x0] =	sbarrier.arrive $0xFFFF;
	(pc) =	sbr.rel @p0 .LBB2_1-.Ltmp1, $4  }
0xa8: {  	[hbm:s9], [sflag:s6] =	dma.local [spmem:s16], $0x2800  }
0xa9: {  	_ =	swait.ge [sflag:s17], $0x2800  }
0xaa: {  	[sflag:s17] =	ssyncset.done $0x0  }
0xab: {  	[sflag:s17] =	ssyncadd.s32 $0xFFFFD800  }
0xac: {  	_ =	sfence.sel $0x180000  }
0xad: {  	[bflag:$0x0] =	sbarrier.arrive $0xFFFF  }
0xae: {  	p0 =	sne.s32 s2, $0x0;
	_ =	strace $0x9000004A  }
0xaf: {  	s0 =	sadd.s32 @!p0 $0x100000, s0;
	[bflag:$0x2] =	sbarrier.arrive $0xFFFF  }
0xb0: {  	[sflag:s0] =	ssyncadd.tile.s32 @!p0 $0x1;
	_ =	shalt  }
.Lfunc_end2:
_tile_overlayer_lowered:
.L_overlay_start_2:
0xb1: {  	(tag) =	ssettag $0x2  }
0xb2: {  	s0 =	rddreg [dreg:$0x0];
	s2 =	stileid.u32  }
0xb3: {  	s1 =	rddreg [dreg:$0x1];
	p0 =	sne.s32 s2, $0x0  }
0xb4: {  	s3 =	rddreg [dreg:$0x2];
	[bflag:$0x3] =	sbarrier.arrive $0xFFFF;
	s2 =	simm.s32 @!p0 $0x1C03  }
0xb5: {  	[timem:s3], [sflag:s2] =	dma.local @!p0 [hbm:s0], s1  }
0xb6: {  	s0 =	simm.s32 @!p0 $0x3  }
0xb7: {  	_ =	swait.ge @!p0 [sflag:s0], s1  }
0xb8: {  	s1 =	ssub.s32 @!p0 $0x0, s1;
	[sflag:s0] =	ssyncset.done @!p0 $0x0  }
0xb9: {  	[sflag:s0] =	ssyncadd.s32 @!p0 s1  }
0xba: {  	[bflag:$0x3] =	sbarrier.arrive $0xFFFF  }
0xbb: {  	_ =	shalt  }

// kernel: kernel.20.cloned.1.call-start
scs
__scs_entry_jumppad:
0x0: {  	(pc) =	sbr.rel $0x88, $3  }
0x1: {  	(tag) =	ssettag $0x0;
	lr =	simm.s32 $0x1  }
0x2: {  	[smem:$0x3F90] =	sst lr;
	_ =	strace $0xD0000000  }
0x3: {  	_ = 	snop  }
0x4: {  	_ = 	snop  }
0x5: {  	_ = 	snop  }
0x6: {  	_ = 	snop  }
0x7: {  	_ = 	snop  }
__scs_overlays_trampoline_lowered:
0x8: {  	[smem:$0x3F9F] =	sst s0  }
0x9: {  	[smem:$0x3FA0] =	sst s1  }
0xa: {  	[smem:$0x3FA1] =	sst s2  }
0xb: {  	[smem:$0x3FA2] =	sst s3  }
0xc: {  	[smem:$0x3FA3] =	sst s4  }
0xd: {  	[smem:$0x3FA4] =	sst s5  }
0xe: {  	[smem:$0x3FA5] =	sst s6  }
0xf: {  	[smem:$0x3FA6] =	sst s7  }
0x10: {  	[smem:$0x3FA7] =	sst s8  }
0x11: {  	[smem:$0x3FA8] =	sst s9;
	s0 =	simm.s32 @!p0 $0x0  }
0x12: {  	s1 =	sld [smem:$0x3F8E];
	s0 =	simm.s32 @p0 $0x1  }
0x13: {  	[smem:$0x3FA9] =	sst s0;
	s0 =	simm.s32 @!p1 $0x0  }
0x14: {  	s2 =	sld [smem:$0x3F8D];
	s0 =	simm.s32 @p1 $0x1  }
0x15: {  	[smem:$0x3FAA] =	sst s0;
	s0 =	simm.s32 @!p2 $0x0  }
0x16: {  	s3 =	sld [smem:$0x3FDB];
	s0 =	simm.s32 @p2 $0x1  }
0x17: {  	s4 =	simm.s32 $0x1BF5;
	[smem:$0x3FAC] =	sst s0  }
0x18: {  	s0 =	sld [smem:$0x3F8F];
	_ =	swait.ge [sflag:s4], $0x0  }
0x19: {  	s7 =	sld [smem:$0x3F90]  }
0x1a: {  	s8 =	sadd.s32 $0xFFFFE003, lr  }
0x1b: {  	s9 =	sadd.s32 $0xFFFFFEF7, lr;
	s5 =	simm.s32 $0xFFFFFFFF;
	p2 =	slt.u32 s8, $0xFFFFF086  }
0x1c: {  	p1 =	slt.u32 s9, $0xF7A;
	s5 =	simm.s32 @!p2 $0x0  }
0x1d: {  	s5 =	simm.s32 @p1 $0x1;
	p0 =	seq.s32 s7, s2  }
0x1e: {  	s7 =	smul.u32 @!p0 $0xF7A, s2;
	p2 =	seq.s32 @!p0 s5, $0x0  }
0x1f: {  	s9 =	smul.u32 $0xF7A, s1;
	s8 =	simm.s32 @!p0 $0x1BF5;
	p2 =	por !p2, p0  }
0x20: {  	[sflag:s8] =	ssyncset.s32 @!p0 $0xFFFFF086;
	s6 =	sadd.s32 @!p0 s3, s7;
	s7 =	simm.s32 @!p0 $0x108  }
0x21: {  	s3 =	sadd.s32 s3, s9;
	s6 =	sadd.s32 @!p0 $0x88, s6;
	s7 =	simm.s32 @p2 $0x1082  }
0x22: {  	[simem:s7], [sflag:s8] =	dma.local @!p0 [hbm:s6], $0xF7A  }
0x23: {  	s9 =	sor.u32 $0xD0000000, s2;
	s6 =	simm.s32 $0x108;
	_ =	swait.ge @!p0 [sflag:s8], $0x0  }
0x24: {  	s3 =	sadd.s32 $0x88, s3;
	s6 =	simm.s32 @!p1 $0x1082;
	[sflag:s4] =	ssyncset.s32 $0xFFFFF086  }
0x25: {  	[simem:s6], [sflag:s4] =	dma.local [hbm:s3], $0xF7A  }
0x26: {  	[smem:$0x3F90] =	sst s1;
	(tag) =	ssettag s2;
	_ =	strace s9  }
0x27: {  	s1 =	sld [smem:$0x3FA0]  }
0x28: {  	s2 =	sld [smem:$0x3FA1]  }
0x29: {  	s4 =	sld [smem:$0x3FA3]  }
0x2a: {  	p0 =	seq.s32 s5, $0x0;
	s5 =	sld [smem:$0x3FA4]  }
0x2b: {  	s6 =	sld [smem:$0x3FA5]  }
0x2c: {  	s7 =	sld [smem:$0x3FA6]  }
0x2d: {  	s3 =	simm.s32 $0x108;
	s8 =	sld [smem:$0x3FA7]  }
0x2e: {  	s3 =	simm.s32 @!p0 $0x1082;
	s9 =	sld [smem:$0x3FA8]  }
0x2f: {  	lr =	sadd.s32 s0, s3;
	s0 =	sld [smem:$0x3F9F]  }
0x30: {  	s3 =	sld [smem:$0x3FA2]  }
0x31: {  	[smem:$0x3FAB] =	sst s10  }
0x32: {  	s10 =	sld [smem:$0x3FA9];
	_ =	sdelay $0x3  }
0x33: {  	p0 =	seq.s32 s10, $0x1;
	s10 =	sld [smem:$0x3FAB];
	_ =	sdelay $0x3  }
0x34: {  	[smem:$0x3FAB] =	sst s10  }
0x35: {  	s10 =	sld [smem:$0x3FAA];
	_ =	sdelay $0x3  }
0x36: {  	p1 =	seq.s32 s10, $0x1;
	s10 =	sld [smem:$0x3FAB];
	_ =	sdelay $0x3  }
0x37: {  	[smem:$0x3FAB] =	sst s10  }
0x38: {  	s10 =	sld [smem:$0x3FAC]  }
0x39: {  	_ = 	snop;
	(pc) =	sbr.ind lr, $3  }
0x3a: {  	_ = 	snop  }
0x3b: {  	_ = 	snop  }
0x3c: {  	p2 =	seq.s32 s10, $0x1;
	s10 =	sld [smem:$0x3FAB]  }
0x3d: {  	_ =	shalt  }
0x3e: {  	_ =	shalt  }
0x3f: {  	_ =	shalt  }
0x40: {  	_ =	shalt  }
0x41: {  	_ =	shalt  }
0x42: {  	_ =	shalt  }
0x43: {  	_ =	shalt  }
0x44: {  	_ =	shalt  }
0x45: {  	_ =	shalt  }
0x46: {  	_ =	shalt  }
0x47: {  	_ =	shalt  }
0x48: {  	_ =	shalt  }
0x49: {  	_ =	shalt  }
0x4a: {  	_ =	shalt  }
0x4b: {  	_ =	shalt  }
0x4c: {  	_ =	shalt  }
0x4d: {  	_ =	shalt  }
0x4e: {  	_ =	shalt  }
0x4f: {  	_ =	shalt  }
0x50: {  	_ =	shalt  }
0x51: {  	_ =	shalt  }
0x52: {  	_ =	shalt  }
0x53: {  	_ =	shalt  }
0x54: {  	_ =	shalt  }
0x55: {  	_ =	shalt  }
0x56: {  	_ =	shalt  }
0x57: {  	_ =	shalt  }
0x58: {  	_ =	shalt  }
0x59: {  	_ =	shalt  }
0x5a: {  	_ =	shalt  }
0x5b: {  	_ =	shalt  }
0x5c: {  	_ =	shalt  }
0x5d: {  	_ =	shalt  }
0x5e: {  	_ =	shalt  }
0x5f: {  	_ =	shalt  }
0x60: {  	_ =	shalt  }
0x61: {  	_ =	shalt  }
0x62: {  	_ =	shalt  }
0x63: {  	_ =	shalt  }
0x64: {  	_ =	shalt  }
0x65: {  	_ =	shalt  }
0x66: {  	_ =	shalt  }
0x67: {  	_ =	shalt  }
0x68: {  	_ =	shalt  }
0x69: {  	_ =	shalt  }
0x6a: {  	_ =	shalt  }
0x6b: {  	_ =	shalt  }
0x6c: {  	_ =	shalt  }
0x6d: {  	_ =	shalt  }
0x6e: {  	_ =	shalt  }
0x6f: {  	_ =	shalt  }
0x70: {  	_ =	shalt  }
0x71: {  	_ =	shalt  }
0x72: {  	_ =	shalt  }
0x73: {  	_ =	shalt  }
0x74: {  	_ =	shalt  }
0x75: {  	_ =	shalt  }
0x76: {  	_ =	shalt  }
0x77: {  	_ =	shalt  }
0x78: {  	_ =	shalt  }
0x79: {  	_ =	shalt  }
0x7a: {  	_ =	shalt  }
0x7b: {  	_ =	shalt  }
0x7c: {  	_ =	shalt  }
0x7d: {  	_ =	shalt  }
0x7e: {  	_ =	shalt  }
0x7f: {  	_ =	shalt  }
0x80: {  	_ =	shalt  }
0x81: {  	_ =	shalt  }
0x82: {  	_ =	shalt  }
0x83: {  	_ =	shalt  }
0x84: {  	_ =	shalt  }
0x85: {  	_ =	shalt  }
0x86: {  	_ =	shalt  }
0x87: {  	_ =	shalt  }
.Lfunc_end0:
.L_simem_size_0:
called_computation.2_lowered:
.L_overlay_start_0:
0x88: {  	s2 =	sld [smem:$0x3FD9]  }
0x89: {  	s3 =	sld [smem:$0x3FFE];
	_ =	sdelay $0x1  }
0x8a: {  	s1 =	srdreg.scid  }
0x8b: {  	s0 =	sand.u32 $0x1, s1  }
0x8c: {  	s16 =	sshll.u32 s0, $0xA;
	s2 =	sadd.s32 s3, s2  }
0x8d: {  	s2 =	sadd.s32 s2, s16  }
0x8e: {  	[smem:$0x3FB7] =	sst s2  }
0x8f: {  	_ = 	snop  }
0x90: {  	(tm) =	ssettm $0x1  }
0x91: {  	s17 =	sld [smem:$0x3FFB];
	_ =	sdelay $0x3  }
0x92: {  	_ =	strace s17  }
0x93: {  	s2 =	sld [smem:$0x3FFC];
	_ =	sdelay $0x3  }
0x94: {  	_ =	strace s2  }
0x95: {  	s2 =	sld [smem:$0x3FFD];
	_ =	sdelay $0x3  }
0x96: {  	_ =	strace s2  }
0x97: {  	_ =	strace $0x8FFFFFFF  }
0x98: {  	s18 =	sld [smem:$0x3FDB];
	_ =	sdelay $0x1  }
0x99: {  	s19 =	simm.s32 $_scs_section_size  }
0x9a: {  	s4 =	simm.s32 $_size__tile_overlayer_lowered;
	s5 =	simm.s32 $_tile_overlayer_lowered  }
0x9b: {  	s22 =	simm.s32 $0x1BFF;
	s21 =	sshll.u32 s5, $0x1;
	s2 =	sadd.s32 s19, s18  }
0x9c: {  	s6 =	simm.s32 $0x0;
	s20 =	sshll.u32 s4, $0x1;
	s4 =	sadd.s32 s21, s2  }
0x9d: {  	[timem:s6], [sflag:s22] =	dma.local [hbm:s4], s20  }
0x9e: {  	_ =	swait.ge [sflag:s22], s20  }
0x9f: {  	s3 =	ssub.s32 $0x0, s20;
	[sflag:s22] =	ssyncset.done $0x0  }
0xa0: {  	[sflag:s22] =	ssyncadd.s32 s3;
	_ =	sdelay $0x1  }
0xa1: {  	s23 =	simm.s32 $0x1B8B  }
0xa2: {  	_ =	swait.ge [sflag:s23], $0x1  }
0xa3: {  	[sflag:s23] =	ssyncset.done $0x0  }
0xa4: {  	s25 =	simm.s32 $0x1B8E;
	s24 =	sld [smem:$0x3FFE];
	[sflag:s23] =	ssyncadd.s32 $0xFFFFFFFF  }
0xa5: {  	s26 =	simm.s32 $execute0_lowered;
	[smem:$0x3FD2] =	sst s25  }
0xa6: {  	s4 =	sshll.u32 s26, $0x1;
	_ =	strace $0x8000004C;
	[dreg:$0x1] =	wrdreg $0xFFFFFFFF  }
0xa7: {  	s28 =	simm.s32 $_size_execute0_lowered;
	s2 =	sadd.s32 s2, s4;
	[dreg:$0x0] =	wrdreg $0x0  }
0xa8: {  	s4 =	sshll.u32 s28, $0x1;
	[dreg:$0x2] =	wrdreg s2  }
0xa9: {  	[dreg:$0x3] =	wrdreg s4  }
0xaa: {  	[dreg:$0x4] =	wrdreg $0xC0  }
0xab: {  	_ =	task [dreg:s6], $0x5FFFF  }
0xac: {  	[dreg:$0x1] =	wrdreg $0xFFFFFFFF  }
0xad: {  	[dreg:$0x0] =	wrdreg $0x60  }
0xae: {  	[dreg:$0x2] =	wrdreg s24  }
0xaf: {  	[dreg:$0x3] =	wrdreg $0x82000  }
0xb0: {  	[dreg:$0x4] =	wrdreg $0x9  }
0xb1: {  	_ =	task.clear_ibuf [dreg:s6], $0x5FFFF;
	_ =	strace $0x9000004C  }
0xb2: {  	s29 =	simm.s32 $0x9;
	_ =	strace $0x8000004E  }
0xb3: {  	_ =	swait.ge [sflag:s29], $0x1  }
0xb4: {  	[sflag:s29] =	ssyncadd.s32 $0xFFFFFFFF  }
0xb5: {  	_ =	strace $0x9000004E  }
0xb6: {  	_ =	sfence  }
0xb7: {  	s30 =	sld [smem:$0x0];
	_ =	sdelay $0x2  }
0xb8: {  	s31 =	sshll.u32 s1, $0xD;
	s1 =	sshrl.u32 s1, $0x2  }
0xb9: {  	s3 =	sand.u32 $0x4000, s31;
	s1 =	sadd.s32 s1, s30  }
0xba: {  	s0 =	sor.u32 s3, s0;
	s1 =	sshll.u32 s1, $0x11  }
0xbb: {  	s0 =	sor.u32 s1, s0  }
0xbc: {  	s0 =	sadd.s32 $0x8F2B, s0  }
0xbd: {  	[sflag:s0] =	ssyncadd.remote.s32 $0x1  }
0xbe: {  	_ =	sfence.sel $0xFFFF  }
0xbf: {  	[dreg:$0x0] =	wrdreg $0xFFFFFFFF;
	(pc) =	sbr.abs _section_cstart, $3  }
0xc0: {  	[dreg:$0x1] =	wrdreg $0xFFFFFFFF  }
0xc1: {  	_ =	task.clear_ibuf [dreg:s6], $0x2FFFF;
	_ =	strace $0x9FFFFFFF  }
0xc2: {  	(tm) =	ssettm $0x7FFFFFFF  }
0xc3: {  	_ =	shalt  }
tec
execute0_lowered:
.L_overlay_start_1:
0x0: {  	(tag) =	ssettag $0x1  }
0x1: {  	s6 =	rddreg [dreg:$0x0]  }
0x2: {  	s1 =	rddreg [dreg:$0x1]  }
0x3: {  	s0 =	rddreg [dreg:$0x2]  }
0x4: {  	s3 =	simm.s32 $0x0;
	s4 =	srdreg.scid;
	s2 =	stileid.u32  }
0x5: {  	s19 =	simm.s32 $0x80;
	s20 =	simm.s32 $0x200;
	s21 =	simm.s32 $0x180  }
0x6: {  	s22 =	simm.s32 $0x4200;
	s23 =	simm.s32 $0x1;
	s24 =	simm.s32 $0x2  }
0x7: {  	s25 =	simm.s32 $0x0;
	[smem:$0x7FF] =	sst s3;
	s7 =	sand.u32 $0x1, s4  }
0x8: {  	s8 =	smul.u32 $0x2800, s2;
	s15 =	sadd.s32 $0xB00400, s6;
	s13 =	sadd.s32 $0x8C00, s6  }
0x9: {  	s4 =	sadd.s32 $0xDC00, s6;
	s10 =	smul.u32 $0x50000, s2;
	s5 =	sadd.s32 $0x560400, s6  }
0xa: {  	s28 =	sshll.u32 s2, $0x6;
	s9 =	smul.u32 $0x28000, s7;
	s7 =	ssub.s32 $0x2, s7  }
0xb: {  	s17 =	smul.u32 $0x500, s2;
	_ =	strace $0x8000004D;
	s26 =	sshrl.u32 s7, $0x1  }
0xc: {  	s10 =	sshrl.u32 s10, $0x2;
	s14 =	sadd.s32 s8, s9;
	s11 =	ssub.s32 s7, s26  }
0xd: {  	s16 =	sadd.s32 s10, s1;
	s8 =	sshrl.u32 s8, $0x3;
	s9 =	sadd.s32 s14, s6  }
0xe: {  	s6 =	sor.u32 $0x1C03, s28;
	s29 =	sshrl.u32 s14, $0x3;
	s8 =	sadd.s32 s13, s8  }
0xf: {  	s10 =	smax.u32 s11, $0x1;
	s18 =	sor.u32 $0x80, s14;
	s14 =	sor.u32 $0x100, s14  }
0x10: {  	s13 =	sadd.s32 s17, s13;
	s16 =	sshrl.u32 s16, $0x3;
	s17 =	simm.s32 $0x3  }
0x11: {  	s7 =	sadd.s32 s15, s29;
	s9 =	sadd.s32 $0xAB0400, s9;
	s12 =	sadd.s32 $0x4F0, s8  }
0x12: {  	s30 =	sshrl.u32 s18, $0x3;
	s31 =	sshrl.u32 s14, $0x3;
	s18 =	simm.s32 $0x100  }
0x13: {  	s11 =	sadd.s32 $0x4F0, s7;
	s14 =	sadd.s32 s30, s15;
	s15 =	sadd.s32 s31, s15  }
.LBB2_1:
0x14: {  	[spmem:s16], [sflag:s6] =	dma.local [hbm:s4], $0x2800  }
0x15: {  	_ =	swait.ge [sflag:s17], $0x2800  }
0x16: {  	[sflag:s17] =	ssyncset.done $0x0  }
0x17: {  	[sflag:s17] =	ssyncadd.s32 $0xFFFFD800  }
0x18: {  	[bflag:$0x0] =	sbarrier.arrive $0xFFFF  }
0x19: {  	[tilespmem:s3], [sflag:$0x3] =	stream.linear.gather [hbm4b:s7+s3], $0x80, $0x38;
	[tilespmem:$0x1C200] =	vst v63  }
0x1a: {  	_ =	swait.ge [sflag:s17], $0x80  }
0x1b: {  	[sflag:s17] =	ssyncset.done $0x0  }
0x1c: {  	[sflag:s17] =	ssyncadd.s32 $0xFFFFFF80  }
0x1d: {  	[tilespmem:s18], [sflag:$0x3] =	stream.linear.gather [hbm4b:s8+s3], $0x80, $0x38;
	[tilespmem:$0x1C200] =	vst v63  }
0x1e: {  	_ =	swait.ge [sflag:s17], $0x80  }
0x1f: {  	[sflag:s17] =	ssyncset.done $0x0  }
0x20: {  	[sflag:s17] =	ssyncadd.s32 $0xFFFFFF80  }
0x21: {  	[tilespmem:s20], [sflag:$0x1] =	stream.indirect.gather [hbm4b:s5+s19], $0x80, s3, s19, $0xb8;
	[tilespmem:$0x1C200] =	vst v63  }
0x22: {  	s26 =	sadd.s32 $0x0, s14  }
0x23: {  	[tilespmem:s19], [sflag:$0x3] =	stream.linear.gather [hbm4b:s26+s3], $0x80, $0x38;
	[tilespmem:$0x1C200] =	vst v63  }
0x24: {  	_ =	swait.ge [sflag:s17], $0x80  }
0x25: {  	s30 =	sadd.s32 $0x0, s13;
	[sflag:s17] =	ssyncset.done $0x0  }
0x26: {  	s28 =	sadd.s32 $0x10, s30;
	[sflag:s17] =	ssyncadd.s32 $0xFFFFFF80  }
0x27: {  	[tilespmem:s21], [sflag:$0x3] =	stream.linear.gather [hbm4b:s28+s3], $0x80, $0x38;
	[tilespmem:$0x1C200] =	vst v63  }
0x28: {  	_ =	swait.ge [sflag:s17], $0x80  }
0x29: {  	[sflag:s17] =	ssyncset.done $0x0  }
0x2a: {  	[sflag:s17] =	ssyncadd.s32 $0xFFFFFF80  }
0x2b: {  	[tilespmem:s22], [sflag:$0x2] =	stream.indirect.gather [hbm4b:s5+s19], $0x80, s19, s19, $0xb8;
	[tilespmem:$0x1C200] =	vst v63  }
0x2c: {  	_ =	swait.ge [sflag:s23], $0x4000  }
0x2d: {  	[sflag:s23] =	ssyncset.done $0x0  }
0x2e: {  	[sflag:s23] =	ssyncadd.s32 $0xFFFFC000  }
0x2f: {  	[spmem:s1] =	stream.indirect.scatter.add.f32 [tilespmem:s20], [sflag:$0x3], $0x80, s18, s19, $0xb8;
	[tilespmem:$0x1C200] =	vst v63  }
0x30: {  	_ =	swait.ge [sflag:s17], $0x4000  }
0x31: {  	[sflag:s17] =	ssyncset.done $0x0  }
0x32: {  	s31 =	sadd.s32 $0x0, s15;
	[sflag:s17] =	ssyncadd.s32 $0xFFFFC000  }
0x33: {  	[tilespmem:s3], [sflag:$0x3] =	stream.linear.gather [hbm4b:s31+s3], $0x80, $0x38;
	[tilespmem:$0x1C200] =	vst v63  }
0x34: {  	_ =	swait.ge [sflag:s17], $0x80  }
0x35: {  	[sflag:s17] =	ssyncset.done $0x0  }
0x36: {  	s26 =	sadd.s32 $0x20, s30;
	[sflag:s17] =	ssyncadd.s32 $0xFFFFFF80  }
0x37: {  	[tilespmem:s18], [sflag:$0x3] =	stream.linear.gather [hbm4b:s26+s3], $0x80, $0x38;
	[tilespmem:$0x1C200] =	vst v63  }
0x38: {  	_ =	swait.ge [sflag:s17], $0x80  }
0x39: {  	[sflag:s17] =	ssyncset.done $0x0  }
0x3a: {  	[sflag:s17] =	ssyncadd.s32 $0xFFFFFF80  }
0x3b: {  	[tilespmem:s20], [sflag:$0x1] =	stream.indirect.gather [hbm4b:s5+s19], $0x80, s3, s19, $0xb8;
	[tilespmem:$0x1C200] =	vst v63  }
0x3c: {  	_ =	swait.ge [sflag:s24], $0x4000  }
0x3d: {  	[sflag:s24] =	ssyncset.done $0x0  }
0x3e: {  	[sflag:s24] =	ssyncadd.s32 $0xFFFFC000  }
0x3f: {  	[spmem:s1] =	stream.indirect.scatter.add.f32 [tilespmem:s22], [sflag:$0x3], $0x80, s21, s19, $0xb8;
	[tilespmem:$0x1C200] =	vst v63  }
0x40: {  	_ =	swait.ge [sflag:s17], $0x4000  }
0x41: {  	s29 =	simm.s32 $0x40;
	s26 =	simm.s32 $0x20;
	[sflag:s17] =	ssyncset.done $0x0  }
.LBB2_2:
0x42: {  	s30 =	sadd.s32 s26, s14  }
0x43: {  	[sflag:s17] =	ssyncadd.s32 $0xFFFFC000;
	s31 =	smov.u32 s29;
	s28 =	sadd.s32 $0x20, s29  }
0x44: {  	[tilespmem:s19], [sflag:$0x3] =	stream.linear.gather [hbm4b:s30+s3], $0x80, $0x38;
	[tilespmem:$0x1C200] =	vst v63  }
0x45: {  	p0 =	sne.s32 s29, $0x4C0;
	_ =	swait.ge [sflag:s17], $0x80  }
0x46: {  	s29 =	sadd.s32 s26, s13;
	[sflag:s17] =	ssyncset.done $0x0  }
0x47: {  	s30 =	sadd.s32 $0x10, s29;
	[sflag:s17] =	ssyncadd.s32 $0xFFFFFF80  }
0x48: {  	[tilespmem:s21], [sflag:$0x3] =	stream.linear.gather [hbm4b:s30+s3], $0x80, $0x38;
	[tilespmem:$0x1C200] =	vst v63  }
0x49: {  	_ =	swait.ge [sflag:s17], $0x80  }
0x4a: {  	[sflag:s17] =	ssyncset.done $0x0  }
0x4b: {  	[sflag:s17] =	ssyncadd.s32 $0xFFFFFF80  }
0x4c: {  	[tilespmem:s22], [sflag:$0x2] =	stream.indirect.gather [hbm4b:s5+s19], $0x80, s19, s19, $0xb8;
	[tilespmem:$0x1C200] =	vst v63  }
0x4d: {  	_ =	swait.ge [sflag:s23], $0x4000  }
0x4e: {  	[sflag:s23] =	ssyncset.done $0x0  }
0x4f: {  	[sflag:s23] =	ssyncadd.s32 $0xFFFFC000  }
0x50: {  	[spmem:s1] =	stream.indirect.scatter.add.f32 [tilespmem:s20], [sflag:$0x3], $0x80, s18, s19, $0xb8;
	[tilespmem:$0x1C200] =	vst v63  }
0x51: {  	_ =	swait.ge [sflag:s17], $0x4000  }
0x52: {  	[sflag:s17] =	ssyncset.done $0x0  }
0x53: {  	s30 =	sadd.s32 s26, s15;
	s26 =	smov.u32 s31;
	[sflag:s17] =	ssyncadd.s32 $0xFFFFC000  }
0x54: {  	[tilespmem:s3], [sflag:$0x3] =	stream.linear.gather [hbm4b:s30+s3], $0x80, $0x38;
	[tilespmem:$0x1C200] =	vst v63  }
0x55: {  	_ =	swait.ge [sflag:s17], $0x80  }
0x56: {  	[sflag:s17] =	ssyncset.done $0x0  }
0x57: {  	s29 =	sadd.s32 $0x20, s29;
	[sflag:s17] =	ssyncadd.s32 $0xFFFFFF80  }
0x58: {  	[tilespmem:s18], [sflag:$0x3] =	stream.linear.gather [hbm4b:s29+s3], $0x80, $0x38;
	[tilespmem:$0x1C200] =	vst v63  }
0x59: {  	_ =	swait.ge [sflag:s17], $0x80  }
0x5a: {  	[sflag:s17] =	ssyncset.done $0x0  }
0x5b: {  	[sflag:s17] =	ssyncadd.s32 $0xFFFFFF80  }
0x5c: {  	[tilespmem:s20], [sflag:$0x1] =	stream.indirect.gather [hbm4b:s5+s19], $0x80, s3, s19, $0xb8;
	[tilespmem:$0x1C200] =	vst v63  }
0x5d: {  	_ =	swait.ge [sflag:s24], $0x4000  }
.Ltmp0:
0x5e: {  	[sflag:s24] =	ssyncset.done $0x0;
	(pc) =	sbr.rel @p0 .LBB2_2-.Ltmp0, $4  }
0x5f: {  	[sflag:s24] =	ssyncadd.s32 $0xFFFFC000  }
0x60: {  	[spmem:s1] =	stream.indirect.scatter.add.f32 [tilespmem:s22], [sflag:$0x3], $0x80, s21, s19, $0xb8;
	[tilespmem:$0x1C200] =	vst v63  }
0x61: {  	_ =	swait.ge [sflag:s17], $0x4000  }
0x62: {  	s29 =	smov.u32 s28;
	[sflag:s17] =	ssyncset.done $0x0  }
0x63: {  	s28 =	sadd.s32 s26, s14;
	[sflag:s17] =	ssyncadd.s32 $0xFFFFC000  }
0x64: {  	[tilespmem:s19], [sflag:$0x3] =	stream.linear.gather [hbm4b:s28+s3], $0x80, $0x38;
	[tilespmem:$0x1C200] =	vst v63  }
0x65: {  	_ =	swait.ge [sflag:s17], $0x80  }
0x66: {  	s31 =	sadd.s32 s26, s13;
	[sflag:s17] =	ssyncset.done $0x0  }
0x67: {  	s29 =	sadd.s32 $0x10, s31;
	[sflag:s17] =	ssyncadd.s32 $0xFFFFFF80  }
0x68: {  	[tilespmem:s21], [sflag:$0x3] =	stream.linear.gather [hbm4b:s29+s3], $0x80, $0x38;
	[tilespmem:$0x1C200] =	vst v63  }
0x69: {  	_ =	swait.ge [sflag:s17], $0x80  }
0x6a: {  	[sflag:s17] =	ssyncset.done $0x0  }
0x6b: {  	[sflag:s17] =	ssyncadd.s32 $0xFFFFFF80  }
0x6c: {  	[tilespmem:s22], [sflag:$0x2] =	stream.indirect.gather [hbm4b:s5+s19], $0x80, s19, s19, $0xb8;
	[tilespmem:$0x1C200] =	vst v63  }
0x6d: {  	_ =	swait.ge [sflag:s23], $0x4000  }
0x6e: {  	[sflag:s23] =	ssyncset.done $0x0  }
0x6f: {  	[sflag:s23] =	ssyncadd.s32 $0xFFFFC000  }
0x70: {  	[spmem:s1] =	stream.indirect.scatter.add.f32 [tilespmem:s20], [sflag:$0x3], $0x80, s18, s19, $0xb8;
	[tilespmem:$0x1C200] =	vst v63  }
0x71: {  	_ =	swait.ge [sflag:s17], $0x4000  }
0x72: {  	[sflag:s17] =	ssyncset.done $0x0  }
0x73: {  	s30 =	sadd.s32 s26, s15;
	[sflag:s17] =	ssyncadd.s32 $0xFFFFC000  }
0x74: {  	[tilespmem:s3], [sflag:$0x3] =	stream.linear.gather [hbm4b:s30+s3], $0x80, $0x38;
	[tilespmem:$0x1C200] =	vst v63  }
0x75: {  	_ =	swait.ge [sflag:s17], $0x80  }
0x76: {  	[sflag:s17] =	ssyncset.done $0x0  }
0x77: {  	s31 =	sadd.s32 $0x20, s31;
	[sflag:s17] =	ssyncadd.s32 $0xFFFFFF80  }
0x78: {  	[tilespmem:s18], [sflag:$0x3] =	stream.linear.gather [hbm4b:s31+s3], $0x80, $0x38;
	[tilespmem:$0x1C200] =	vst v63  }
0x79: {  	_ =	swait.ge [sflag:s17], $0x80  }
0x7a: {  	[sflag:s17] =	ssyncset.done $0x0  }
0x7b: {  	[sflag:s17] =	ssyncadd.s32 $0xFFFFFF80  }
0x7c: {  	[tilespmem:s20], [sflag:$0x1] =	stream.indirect.gather [hbm4b:s5+s19], $0x80, s3, s19, $0xb8;
	[tilespmem:$0x1C200] =	vst v63  }
0x7d: {  	_ =	swait.ge [sflag:s24], $0x4000  }
0x7e: {  	[sflag:s24] =	ssyncset.done $0x0  }
0x7f: {  	[sflag:s24] =	ssyncadd.s32 $0xFFFFC000  }
0x80: {  	[spmem:s1] =	stream.indirect.scatter.add.f32 [tilespmem:s22], [sflag:$0x3], $0x80, s21, s19, $0xb8;
	[tilespmem:$0x1C200] =	vst v63  }
0x81: {  	_ =	swait.ge [sflag:s17], $0x4000  }
0x82: {  	[sflag:s17] =	ssyncset.done $0x0  }
0x83: {  	[sflag:s17] =	ssyncadd.s32 $0xFFFFC000  }
0x84: {  	[tilespmem:s19], [sflag:$0x3] =	stream.linear.gather [hbm4b:s11+s3], $0x80, $0x38;
	[tilespmem:$0x1C200] =	vst v63  }
0x85: {  	_ =	swait.ge [sflag:s17], $0x80  }
0x86: {  	[sflag:s17] =	ssyncset.done $0x0  }
0x87: {  	[sflag:s17] =	ssyncadd.s32 $0xFFFFFF80  }
0x88: {  	[tilespmem:s21], [sflag:$0x3] =	stream.linear.gather [hbm4b:s12+s3], $0x80, $0x38;
	[tilespmem:$0x1C200] =	vst v63  }
0x89: {  	_ =	swait.ge [sflag:s17], $0x80  }
0x8a: {  	[sflag:s17] =	ssyncset.done $0x0  }
0x8b: {  	[sflag:s17] =	ssyncadd.s32 $0xFFFFFF80  }
0x8c: {  	[tilespmem:s22], [sflag:$0x2] =	stream.indirect.gather [hbm4b:s5+s19], $0x80, s19, s19, $0xb8;
	[tilespmem:$0x1C200] =	vst v63  }
0x8d: {  	_ =	swait.ge [sflag:s23], $0x4000  }
0x8e: {  	[sflag:s23] =	ssyncset.done $0x0  }
0x8f: {  	[sflag:s23] =	ssyncadd.s32 $0xFFFFC000  }
0x90: {  	[spmem:s1] =	stream.indirect.scatter.add.f32 [tilespmem:s20], [sflag:$0x3], $0x80, s18, s19, $0xb8;
	[tilespmem:$0x1C200] =	vst v63  }
0x91: {  	_ =	swait.ge [sflag:s17], $0x4000  }
0x92: {  	[sflag:s17] =	ssyncset.done $0x0  }
0x93: {  	[sflag:s17] =	ssyncadd.s32 $0xFFFFC000  }
0x94: {  	[tilespmem:s3], [sflag:$0x3] =	stream.linear.gather [hbm4b:s7+s3], $0x80, $0x38;
	[tilespmem:$0x1C200] =	vst v63  }
0x95: {  	_ =	swait.ge [sflag:s17], $0x80  }
0x96: {  	[sflag:s17] =	ssyncset.done $0x0  }
0x97: {  	[sflag:s17] =	ssyncadd.s32 $0xFFFFFF80  }
0x98: {  	[tilespmem:s18], [sflag:$0x3] =	stream.linear.gather [hbm4b:s8+s3], $0x80, $0x38;
	[tilespmem:$0x1C200] =	vst v63  }
0x99: {  	_ =	swait.ge [sflag:s17], $0x80  }
0x9a: {  	[sflag:s17] =	ssyncset.done $0x0  }
0x9b: {  	[sflag:s17] =	ssyncadd.s32 $0xFFFFFF80  }
0x9c: {  	[tilespmem:s20], [sflag:$0x1] =	stream.indirect.gather [hbm4b:s5+s19], $0x80, s3, s19, $0xb8;
	[tilespmem:$0x1C200] =	vst v63  }
0x9d: {  	_ =	swait.ge [sflag:s24], $0x4000  }
0x9e: {  	[sflag:s24] =	ssyncset.done $0x0  }
0x9f: {  	[sflag:s24] =	ssyncadd.s32 $0xFFFFC000  }
0xa0: {  	[spmem:s1] =	stream.indirect.scatter.add.f32 [tilespmem:s22], [sflag:$0x3], $0x80, s21, s19, $0xb8;
	[tilespmem:$0x1C200] =	vst v63  }
0xa1: {  	_ =	swait.ge [sflag:s17], $0x4000  }
0xa2: {  	[sflag:s17] =	ssyncset.done $0x0  }
0xa3: {  	[sflag:s17] =	ssyncadd.s32 $0xFFFFC000  }
0xa4: {  	_ =	swait.ge [sflag:s23], $0x4000  }
0xa5: {  	s25 =	sadd.s32 $0x1, s25;
	[sflag:s23] =	ssyncset.done $0x0  }
0xa6: {  	p0 =	sne.s32 s25, s10;
	[sflag:s23] =	ssyncadd.s32 $0xFFFFC000  }
.Ltmp1:
0xa7: {  	[bflag:$0x0] =	sbarrier.arrive $0xFFFF;
	(pc) =	sbr.rel @p0 .LBB2_1-.Ltmp1, $4  }
0xa8: {  	[hbm:s9], [sflag:s6] =	dma.local [spmem:s16], $0x2800  }
0xa9: {  	_ =	swait.ge [sflag:s17], $0x2800  }
0xaa: {  	[sflag:s17] =	ssyncset.done $0x0  }
0xab: {  	[sflag:s17] =	ssyncadd.s32 $0xFFFFD800  }
0xac: {  	_ =	sfence.sel $0x180000  }
0xad: {  	[bflag:$0x0] =	sbarrier.arrive $0xFFFF  }
0xae: {  	p0 =	sne.s32 s2, $0x0;
	_ =	strace $0x9000004D  }
0xaf: {  	s0 =	sadd.s32 @!p0 $0x100000, s0;
	[bflag:$0x2] =	sbarrier.arrive $0xFFFF  }
0xb0: {  	[sflag:s0] =	ssyncadd.tile.s32 @!p0 $0x1;
	_ =	shalt  }
.Lfunc_end2:
_tile_overlayer_lowered:
.L_overlay_start_2:
0xb1: {  	(tag) =	ssettag $0x2  }
0xb2: {  	s0 =	rddreg [dreg:$0x0];
	s2 =	stileid.u32  }
0xb3: {  	s1 =	rddreg [dreg:$0x1];
	p0 =	sne.s32 s2, $0x0  }
0xb4: {  	s3 =	rddreg [dreg:$0x2];
	[bflag:$0x3] =	sbarrier.arrive $0xFFFF;
	s2 =	simm.s32 @!p0 $0x1C03  }
0xb5: {  	[timem:s3], [sflag:s2] =	dma.local @!p0 [hbm:s0], s1  }
0xb6: {  	s0 =	simm.s32 @!p0 $0x3  }
0xb7: {  	_ =	swait.ge @!p0 [sflag:s0], s1  }
0xb8: {  	s1 =	ssub.s32 @!p0 $0x0, s1;
	[sflag:s0] =	ssyncset.done @!p0 $0x0  }
0xb9: {  	[sflag:s0] =	ssyncadd.s32 @!p0 s1  }
0xba: {  	[bflag:$0x3] =	sbarrier.arrive $0xFFFF  }
0xbb: {  	_ =	shalt  }

// kernel: kernel.23.cloned.1.call-start
scs
__scs_entry_jumppad:
0x0: {  	(pc) =	sbr.rel $0x88, $3  }
0x1: {  	(tag) =	ssettag $0x0;
	lr =	simm.s32 $0x1  }
0x2: {  	[smem:$0x3F90] =	sst lr;
	_ =	strace $0xD0000000  }
0x3: {  	_ = 	snop  }
0x4: {  	_ = 	snop  }
0x5: {  	_ = 	snop  }
0x6: {  	_ = 	snop  }
0x7: {  	_ = 	snop  }
__scs_overlays_trampoline_lowered:
0x8: {  	[smem:$0x3F9F] =	sst s0  }
0x9: {  	[smem:$0x3FA0] =	sst s1  }
0xa: {  	[smem:$0x3FA1] =	sst s2  }
0xb: {  	[smem:$0x3FA2] =	sst s3  }
0xc: {  	[smem:$0x3FA3] =	sst s4  }
0xd: {  	[smem:$0x3FA4] =	sst s5  }
0xe: {  	[smem:$0x3FA5] =	sst s6  }
0xf: {  	[smem:$0x3FA6] =	sst s7  }
0x10: {  	[smem:$0x3FA7] =	sst s8  }
0x11: {  	[smem:$0x3FA8] =	sst s9;
	s0 =	simm.s32 @!p0 $0x0  }
0x12: {  	s1 =	sld [smem:$0x3F8E];
	s0 =	simm.s32 @p0 $0x1  }
0x13: {  	[smem:$0x3FA9] =	sst s0;
	s0 =	simm.s32 @!p1 $0x0  }
0x14: {  	s2 =	sld [smem:$0x3F8D];
	s0 =	simm.s32 @p1 $0x1  }
0x15: {  	[smem:$0x3FAA] =	sst s0;
	s0 =	simm.s32 @!p2 $0x0  }
0x16: {  	s3 =	sld [smem:$0x3FDB];
	s0 =	simm.s32 @p2 $0x1  }
0x17: {  	s4 =	simm.s32 $0x1BF5;
	[smem:$0x3FAC] =	sst s0  }
0x18: {  	s0 =	sld [smem:$0x3F8F];
	_ =	swait.ge [sflag:s4], $0x0  }
0x19: {  	s7 =	sld [smem:$0x3F90]  }
0x1a: {  	s8 =	sadd.s32 $0xFFFFE003, lr  }
0x1b: {  	s9 =	sadd.s32 $0xFFFFFEF7, lr;
	s5 =	simm.s32 $0xFFFFFFFF;
	p2 =	slt.u32 s8, $0xFFFFF086  }
0x1c: {  	p1 =	slt.u32 s9, $0xF7A;
	s5 =	simm.s32 @!p2 $0x0  }
0x1d: {  	s5 =	simm.s32 @p1 $0x1;
	p0 =	seq.s32 s7, s2  }
0x1e: {  	s7 =	smul.u32 @!p0 $0xF7A, s2;
	p2 =	seq.s32 @!p0 s5, $0x0  }
0x1f: {  	s9 =	smul.u32 $0xF7A, s1;
	s8 =	simm.s32 @!p0 $0x1BF5;
	p2 =	por !p2, p0  }
0x20: {  	[sflag:s8] =	ssyncset.s32 @!p0 $0xFFFFF086;
	s6 =	sadd.s32 @!p0 s3, s7;
	s7 =	simm.s32 @!p0 $0x108  }
0x21: {  	s3 =	sadd.s32 s3, s9;
	s6 =	sadd.s32 @!p0 $0x88, s6;
	s7 =	simm.s32 @p2 $0x1082  }
0x22: {  	[simem:s7], [sflag:s8] =	dma.local @!p0 [hbm:s6], $0xF7A  }
0x23: {  	s9 =	sor.u32 $0xD0000000, s2;
	s6 =	simm.s32 $0x108;
	_ =	swait.ge @!p0 [sflag:s8], $0x0  }
0x24: {  	s3 =	sadd.s32 $0x88, s3;
	s6 =	simm.s32 @!p1 $0x1082;
	[sflag:s4] =	ssyncset.s32 $0xFFFFF086  }
0x25: {  	[simem:s6], [sflag:s4] =	dma.local [hbm:s3], $0xF7A  }
0x26: {  	[smem:$0x3F90] =	sst s1;
	(tag) =	ssettag s2;
	_ =	strace s9  }
0x27: {  	s1 =	sld [smem:$0x3FA0]  }
0x28: {  	s2 =	sld [smem:$0x3FA1]  }
0x29: {  	s4 =	sld [smem:$0x3FA3]  }
0x2a: {  	p0 =	seq.s32 s5, $0x0;
	s5 =	sld [smem:$0x3FA4]  }
0x2b: {  	s6 =	sld [smem:$0x3FA5]  }
0x2c: {  	s7 =	sld [smem:$0x3FA6]  }
0x2d: {  	s3 =	simm.s32 $0x108;
	s8 =	sld [smem:$0x3FA7]  }
0x2e: {  	s3 =	simm.s32 @!p0 $0x1082;
	s9 =	sld [smem:$0x3FA8]  }
0x2f: {  	lr =	sadd.s32 s0, s3;
	s0 =	sld [smem:$0x3F9F]  }
0x30: {  	s3 =	sld [smem:$0x3FA2]  }
0x31: {  	[smem:$0x3FAB] =	sst s10  }
0x32: {  	s10 =	sld [smem:$0x3FA9];
	_ =	sdelay $0x3  }
0x33: {  	p0 =	seq.s32 s10, $0x1;
	s10 =	sld [smem:$0x3FAB];
	_ =	sdelay $0x3  }
0x34: {  	[smem:$0x3FAB] =	sst s10  }
0x35: {  	s10 =	sld [smem:$0x3FAA];
	_ =	sdelay $0x3  }
0x36: {  	p1 =	seq.s32 s10, $0x1;
	s10 =	sld [smem:$0x3FAB];
	_ =	sdelay $0x3  }
0x37: {  	[smem:$0x3FAB] =	sst s10  }
0x38: {  	s10 =	sld [smem:$0x3FAC]  }
0x39: {  	_ = 	snop;
	(pc) =	sbr.ind lr, $3  }
0x3a: {  	_ = 	snop  }
0x3b: {  	_ = 	snop  }
0x3c: {  	p2 =	seq.s32 s10, $0x1;
	s10 =	sld [smem:$0x3FAB]  }
0x3d: {  	_ =	shalt  }
0x3e: {  	_ =	shalt  }
0x3f: {  	_ =	shalt  }
0x40: {  	_ =	shalt  }
0x41: {  	_ =	shalt  }
0x42: {  	_ =	shalt  }
0x43: {  	_ =	shalt  }
0x44: {  	_ =	shalt  }
0x45: {  	_ =	shalt  }
0x46: {  	_ =	shalt  }
0x47: {  	_ =	shalt  }
0x48: {  	_ =	shalt  }
0x49: {  	_ =	shalt  }
0x4a: {  	_ =	shalt  }
0x4b: {  	_ =	shalt  }
0x4c: {  	_ =	shalt  }
0x4d: {  	_ =	shalt  }
0x4e: {  	_ =	shalt  }
0x4f: {  	_ =	shalt  }
0x50: {  	_ =	shalt  }
0x51: {  	_ =	shalt  }
0x52: {  	_ =	shalt  }
0x53: {  	_ =	shalt  }
0x54: {  	_ =	shalt  }
0x55: {  	_ =	shalt  }
0x56: {  	_ =	shalt  }
0x57: {  	_ =	shalt  }
0x58: {  	_ =	shalt  }
0x59: {  	_ =	shalt  }
0x5a: {  	_ =	shalt  }
0x5b: {  	_ =	shalt  }
0x5c: {  	_ =	shalt  }
0x5d: {  	_ =	shalt  }
0x5e: {  	_ =	shalt  }
0x5f: {  	_ =	shalt  }
0x60: {  	_ =	shalt  }
0x61: {  	_ =	shalt  }
0x62: {  	_ =	shalt  }
0x63: {  	_ =	shalt  }
0x64: {  	_ =	shalt  }
0x65: {  	_ =	shalt  }
0x66: {  	_ =	shalt  }
0x67: {  	_ =	shalt  }
0x68: {  	_ =	shalt  }
0x69: {  	_ =	shalt  }
0x6a: {  	_ =	shalt  }
0x6b: {  	_ =	shalt  }
0x6c: {  	_ =	shalt  }
0x6d: {  	_ =	shalt  }
0x6e: {  	_ =	shalt  }
0x6f: {  	_ =	shalt  }
0x70: {  	_ =	shalt  }
0x71: {  	_ =	shalt  }
0x72: {  	_ =	shalt  }
0x73: {  	_ =	shalt  }
0x74: {  	_ =	shalt  }
0x75: {  	_ =	shalt  }
0x76: {  	_ =	shalt  }
0x77: {  	_ =	shalt  }
0x78: {  	_ =	shalt  }
0x79: {  	_ =	shalt  }
0x7a: {  	_ =	shalt  }
0x7b: {  	_ =	shalt  }
0x7c: {  	_ =	shalt  }
0x7d: {  	_ =	shalt  }
0x7e: {  	_ =	shalt  }
0x7f: {  	_ =	shalt  }
0x80: {  	_ =	shalt  }
0x81: {  	_ =	shalt  }
0x82: {  	_ =	shalt  }
0x83: {  	_ =	shalt  }
0x84: {  	_ =	shalt  }
0x85: {  	_ =	shalt  }
0x86: {  	_ =	shalt  }
0x87: {  	_ =	shalt  }
.Lfunc_end0:
.L_simem_size_0:
called_computation.3_lowered:
.L_overlay_start_0:
0x88: {  	s2 =	sld [smem:$0x3FD9]  }
0x89: {  	s3 =	sld [smem:$0x3FFE];
	_ =	sdelay $0x1  }
0x8a: {  	s1 =	srdreg.scid  }
0x8b: {  	s0 =	sand.u32 $0x1, s1  }
0x8c: {  	s17 =	sshll.u32 s0, $0xA;
	s2 =	sadd.s32 s3, s2  }
0x8d: {  	s2 =	sadd.s32 s2, s17  }
0x8e: {  	[smem:$0x3FB7] =	sst s2  }
0x8f: {  	_ = 	snop  }
0x90: {  	s2 =	sld [smem:$0x3FC7]  }
0x91: {  	s18 =	sld [smem:$0x3FC6]  }
0x92: {  	s4 =	sld [smem:$0x3FC5]  }
0x93: {  	s5 =	sld [smem:$0x3FBB];
	(tm) =	ssettm $0x1  }
0x94: {  	s6 =	sld [smem:$0x3FFB];
	_ =	sdelay $0x3  }
0x95: {  	_ =	strace s6  }
0x96: {  	s6 =	sld [smem:$0x3FFC];
	_ =	sdelay $0x3  }
0x97: {  	_ =	strace s6  }
0x98: {  	s6 =	sld [smem:$0x3FFD];
	_ =	sdelay $0x3  }
0x99: {  	_ =	strace s6  }
0x9a: {  	_ =	strace $0x8FFFFFFF  }
0x9b: {  	s19 =	sld [smem:$0x3FDB];
	_ =	sdelay $0x1  }
0x9c: {  	s7 =	simm.s32 $_scs_section_size  }
0x9d: {  	s8 =	simm.s32 $_size__tile_overlayer_lowered;
	s9 =	simm.s32 $_tile_overlayer_lowered  }
0x9e: {  	s22 =	simm.s32 $0x1BFF;
	s21 =	sshll.u32 s9, $0x1;
	s6 =	sadd.s32 s7, s19  }
0x9f: {  	s10 =	simm.s32 $0x0;
	s20 =	sshll.u32 s8, $0x1;
	s8 =	sadd.s32 s21, s6  }
0xa0: {  	[timem:s10], [sflag:s22] =	dma.local [hbm:s8], s20  }
0xa1: {  	_ =	swait.ge [sflag:s22], s20  }
0xa2: {  	s7 =	ssub.s32 $0x0, s20;
	[sflag:s22] =	ssyncset.done $0x0  }
0xa3: {  	[sflag:s22] =	ssyncadd.s32 s7;
	_ =	sdelay $0x1  }
0xa4: {  	s23 =	simm.s32 $0x1B8B  }
0xa5: {  	_ =	swait.ge [sflag:s23], $0x1  }
0xa6: {  	[sflag:s23] =	ssyncset.done $0x0  }
0xa7: {  	s25 =	simm.s32 $0x1B8E;
	s24 =	sld [smem:$0x3FFE];
	[sflag:s23] =	ssyncadd.s32 $0xFFFFFFFF  }
0xa8: {  	s26 =	simm.s32 $execute0_lowered;
	[smem:$0x3FD2] =	sst s25  }
0xa9: {  	s8 =	sshll.u32 s26, $0x1;
	_ =	strace $0x8000004F;
	[dreg:$0x1] =	wrdreg $0xFFFFFFFF  }
0xaa: {  	s28 =	simm.s32 $_size_execute0_lowered;
	s6 =	sadd.s32 s6, s8;
	[dreg:$0x0] =	wrdreg $0x0  }
0xab: {  	s8 =	sshll.u32 s28, $0x1;
	[dreg:$0x2] =	wrdreg s6  }
0xac: {  	[dreg:$0x3] =	wrdreg s8  }
0xad: {  	[dreg:$0x4] =	wrdreg $0xC0  }
0xae: {  	_ =	task [dreg:s10], $0x5FFFF  }
0xaf: {  	[dreg:$0x1] =	wrdreg $0xFFFFFFFF  }
0xb0: {  	[dreg:$0x0] =	wrdreg $0x60  }
0xb1: {  	[dreg:$0x2] =	wrdreg s2  }
0xb2: {  	[dreg:$0x3] =	wrdreg s18  }
0xb3: {  	[dreg:$0x4] =	wrdreg s4  }
0xb4: {  	[dreg:$0x5] =	wrdreg s24  }
0xb5: {  	[dreg:$0x6] =	wrdreg s5  }
0xb6: {  	[dreg:$0x7] =	wrdreg $0x9  }
0xb7: {  	_ =	task.clear_ibuf [dreg:s10], $0x8FFFF;
	_ =	strace $0x9000004F  }
0xb8: {  	s29 =	simm.s32 $0x9;
	_ =	strace $0x80000051  }
0xb9: {  	_ =	swait.ge [sflag:s29], $0x1  }
0xba: {  	[sflag:s29] =	ssyncadd.s32 $0xFFFFFFFF  }
0xbb: {  	_ =	strace $0x90000051  }
0xbc: {  	_ =	sfence  }
0xbd: {  	s30 =	sld [smem:$0x0];
	_ =	sdelay $0x2  }
0xbe: {  	s31 =	sshll.u32 s1, $0xD;
	s1 =	sshrl.u32 s1, $0x2  }
0xbf: {  	s3 =	sand.u32 $0x4000, s31;
	s1 =	sadd.s32 s1, s30  }
0xc0: {  	s0 =	sor.u32 s3, s0;
	s1 =	sshll.u32 s1, $0x11  }
0xc1: {  	s0 =	sor.u32 s1, s0  }
0xc2: {  	s0 =	sadd.s32 $0x8F2B, s0  }
0xc3: {  	[sflag:s0] =	ssyncadd.remote.s32 $0x1  }
0xc4: {  	_ =	sfence.sel $0xFFFF  }
0xc5: {  	[dreg:$0x0] =	wrdreg $0xFFFFFFFF;
	(pc) =	sbr.abs _section_cstart, $3  }
0xc6: {  	[dreg:$0x1] =	wrdreg $0xFFFFFFFF  }
0xc7: {  	_ =	task.clear_ibuf [dreg:s10], $0x2FFFF;
	_ =	strace $0x9FFFFFFF  }
0xc8: {  	(tm) =	ssettm $0x7FFFFFFF  }
0xc9: {  	_ =	shalt  }
tec
execute0_lowered:
.L_overlay_start_1:
0x0: {  	(tag) =	ssettag $0x1  }
0x1: {  	s1 =	rddreg [dreg:$0x0]  }
0x2: {  	s2 =	rddreg [dreg:$0x1]  }
0x3: {  	s3 =	rddreg [dreg:$0x2]  }
0x4: {  	s0 =	rddreg [dreg:$0x3]  }
0x5: {  	s4 =	rddreg [dreg:$0x4]  }
0x6: {  	s5 =	simm.s32 $0x0;
	s6 =	srdreg.scid;
	s13 =	stileid.u32  }
0x7: {  	s14 =	simm.s32 $0x880;
	s15 =	simm.s32 $0x1080;
	s16 =	simm.s32 $0x1880  }
0x8: {  	s17 =	simm.s32 $0x2080;
	s18 =	simm.s32 $0x2880;
	s19 =	simm.s32 $0x3080  }
0x9: {  	s20 =	simm.s32 $0x3880;
	s21 =	simm.s32 $0x4080;
	s22 =	simm.s32 $0x4880  }
0xa: {  	s23 =	simm.s32 $0x5080;
	s24 =	simm.s32 $0x5880;
	s25 =	simm.s32 $0x6080  }
0xb: {  	s28 =	simm.s32 $0x7080;
	s29 =	simm.s32 $0x7880;
	s30 =	simm.s32 $0x1  }
0xc: {  	[smem:$0x7FF] =	sst s5;
	s6 =	sand.u32 $0x1, s6;
	s7 =	sadd.s32 $0x3C00, s0  }
0xd: {  	s8 =	sadd.s32 $0x53C00, s0;
	s9 =	sadd.s32 $0xD3C00, s0;
	s10 =	ssub.s32 $0x2, s6  }
0xe: {  	s26 =	sshll.u32 s13, $0x9;
	s13 =	simm.s32 $0x2;
	s11 =	sshrl.u32 s10, $0x1  }
0xf: {  	v2 =	vlaneseq.u32;
	_ =	strace $0x80000050;
	s6 =	sshll.u32 s6, $0x8;
	s12 =	ssub.s32 s10, s11  }
0x10: {  	vm0 =	vmmov $0xffff;
	v1 =	vshrl.u32 v2, $0x3;
	s10 =	sadd.s32 $0x93C00, s0;
	s11 =	sor.u32 s6, s26;
	s31 =	smax.u32 s12, $0x1  }
0x11: {  	v0 =	vand.u32 $0x7, v2;
	v2 =	vor.u32 $0x8, v2;
	v1 =	vmul.u32 $0x8, v1;
	s26 =	simm.s32 $0x6880;
	s6 =	simm.s32 $0x0;
	[dreg:$0x6] =	wrdreg s31  }
.LBB2_1:
0x12: {  	[dreg:$0x7] =	wrdreg s6;
	p0 =	por $0x1, $0x1;
	s0 =	simm.s32 $0x0  }
.LBB2_2:
0x13: {  	s12 =	sor.u32 s11, s0  }
0x14: {  	s6 =	sshrl.u32 s12, $0x3  }
0x15: {  	s31 =	sadd.s32 s1, s6  }
0x16: {  	[tilespmem:s5], [sflag:$0x2] =	stream.linear.gather [hbm4b:s31+s5], $0x80, $0x38;
	[tilespmem:$0x8080] =	vst v63  }
0x17: {  	_ =	swait.ge [sflag:s13], $0x80  }
0x18: {  	[sflag:s13] =	ssyncset.done $0x0  }
0x19: {  	[sflag:s13] =	ssyncadd.s32 $0xFFFFFF80  }
0x1a: {  	v3 =	vld [tilespmem:$0x0];
	_ =	sdelay $0x4  }
0x1b: {  	v4 =	vshll.u32 v3, $0x1  }
0x1c: {  	v3 =	vand.u32 $0x7, v3;
	v4 =	vand.u32 $0xFFFFFFF0, v4  }
0x1d: {  	v3 =	vor.u32 v3, v4  }
0x1e: {  	v4 =	vperm.xlane v3, v0;
	_ =	sdelay $0x1  }
0x1f: {  	v3 =	vperm.xlane v3, v2;
	v4 =	vadd.s32 v1, v4;
	_ =	sdelay $0x1  }
0x20: {  	v3 =	vadd.s32 v1, v3;
	_ =	sdelay $0x1  }
0x21: {  	s0 =	simm.s32 $0x80  }
0x22: {  	[tilespmem:s0], [sflag:$0x1] =	stream.indirect_vreg.gather [hbm4b:s7+s5], $0x80, v4, vm0, $0xb8;
	[tilespmem:$0x8080] =	vst v63  }
0x23: {  	_ = 	snop  }
0x24: {  	[tilespmem:s14], [sflag:$0x1] =	stream.indirect_vreg.gather [hbm4b:s7+s5], $0x80, v3, vm0, $0xb8;
	[tilespmem:$0x8080] =	vst v63  }
0x25: {  	v3 =	vld [tilespmem:$0x10];
	_ =	sdelay $0x4  }
0x26: {  	v41 =	vshll.u32 v3, $0x1  }
0x27: {  	v3 =	vand.u32 $0x7, v3;
	v4 =	vand.u32 $0xFFFFFFF0, v41  }
0x28: {  	v3 =	vor.u32 v3, v4  }
0x29: {  	v4 =	vperm.xlane v3, v0;
	_ =	sdelay $0x1  }
0x2a: {  	v3 =	vperm.xlane v3, v2;
	v4 =	vadd.s32 v1, v4;
	_ =	sdelay $0x1  }
0x2b: {  	v3 =	vadd.s32 v1, v3;
	_ =	sdelay $0x2  }
0x2c: {  	[tilespmem:s15], [sflag:$0x1] =	stream.indirect_vreg.gather [hbm4b:s7+s5], $0x80, v4, vm0, $0xb8;
	[tilespmem:$0x8080] =	vst v63  }
0x2d: {  	_ = 	snop  }
0x2e: {  	[tilespmem:s16], [sflag:$0x1] =	stream.indirect_vreg.gather [hbm4b:s7+s5], $0x80, v3, vm0, $0xb8;
	[tilespmem:$0x8080] =	vst v63  }
0x2f: {  	v3 =	vld [tilespmem:$0x20];
	_ =	sdelay $0x4  }
0x30: {  	v42 =	vshll.u32 v3, $0x1  }
0x31: {  	v3 =	vand.u32 $0x7, v3;
	v4 =	vand.u32 $0xFFFFFFF0, v42  }
0x32: {  	v3 =	vor.u32 v3, v4  }
0x33: {  	v4 =	vperm.xlane v3, v0;
	_ =	sdelay $0x1  }
0x34: {  	v3 =	vperm.xlane v3, v2;
	v4 =	vadd.s32 v1, v4;
	_ =	sdelay $0x1  }
0x35: {  	v3 =	vadd.s32 v1, v3;
	_ =	sdelay $0x2  }
0x36: {  	[tilespmem:s17], [sflag:$0x1] =	stream.indirect_vreg.gather [hbm4b:s7+s5], $0x80, v4, vm0, $0xb8;
	[tilespmem:$0x8080] =	vst v63  }
0x37: {  	_ = 	snop  }
0x38: {  	[tilespmem:s18], [sflag:$0x1] =	stream.indirect_vreg.gather [hbm4b:s7+s5], $0x80, v3, vm0, $0xb8;
	[tilespmem:$0x8080] =	vst v63  }
0x39: {  	v3 =	vld [tilespmem:$0x30];
	_ =	sdelay $0x4  }
0x3a: {  	v43 =	vshll.u32 v3, $0x1  }
0x3b: {  	v3 =	vand.u32 $0x7, v3;
	v4 =	vand.u32 $0xFFFFFFF0, v43  }
0x3c: {  	v3 =	vor.u32 v3, v4  }
0x3d: {  	v4 =	vperm.xlane v3, v0;
	_ =	sdelay $0x1  }
0x3e: {  	v3 =	vperm.xlane v3, v2;
	v4 =	vadd.s32 v1, v4;
	_ =	sdelay $0x1  }
0x3f: {  	v3 =	vadd.s32 v1, v3;
	_ =	sdelay $0x2  }
0x40: {  	[tilespmem:s19], [sflag:$0x1] =	stream.indirect_vreg.gather [hbm4b:s7+s5], $0x80, v4, vm0, $0xb8;
	[tilespmem:$0x8080] =	vst v63  }
0x41: {  	_ = 	snop  }
0x42: {  	[tilespmem:s20], [sflag:$0x1] =	stream.indirect_vreg.gather [hbm4b:s7+s5], $0x80, v3, vm0, $0xb8;
	[tilespmem:$0x8080] =	vst v63  }
0x43: {  	v3 =	vld [tilespmem:$0x40];
	_ =	sdelay $0x4  }
0x44: {  	v44 =	vshll.u32 v3, $0x1  }
0x45: {  	v3 =	vand.u32 $0x7, v3;
	v4 =	vand.u32 $0xFFFFFFF0, v44  }
0x46: {  	v3 =	vor.u32 v3, v4  }
0x47: {  	v4 =	vperm.xlane v3, v0;
	_ =	sdelay $0x1  }
0x48: {  	v3 =	vperm.xlane v3, v2;
	v4 =	vadd.s32 v1, v4;
	_ =	sdelay $0x1  }
0x49: {  	v3 =	vadd.s32 v1, v3;
	_ =	sdelay $0x2  }
0x4a: {  	[tilespmem:s21], [sflag:$0x1] =	stream.indirect_vreg.gather [hbm4b:s7+s5], $0x80, v4, vm0, $0xb8;
	[tilespmem:$0x8080] =	vst v63  }
0x4b: {  	_ = 	snop  }
0x4c: {  	[tilespmem:s22], [sflag:$0x1] =	stream.indirect_vreg.gather [hbm4b:s7+s5], $0x80, v3, vm0, $0xb8;
	[tilespmem:$0x8080] =	vst v63  }
0x4d: {  	v3 =	vld [tilespmem:$0x50];
	_ =	sdelay $0x4  }
0x4e: {  	v45 =	vshll.u32 v3, $0x1  }
0x4f: {  	v3 =	vand.u32 $0x7, v3;
	v4 =	vand.u32 $0xFFFFFFF0, v45  }
0x50: {  	v3 =	vor.u32 v3, v4  }
0x51: {  	v4 =	vperm.xlane v3, v0;
	_ =	sdelay $0x1  }
0x52: {  	v3 =	vperm.xlane v3, v2;
	v4 =	vadd.s32 v1, v4;
	_ =	sdelay $0x1  }
0x53: {  	v3 =	vadd.s32 v1, v3;
	_ =	sdelay $0x2  }
0x54: {  	[tilespmem:s23], [sflag:$0x1] =	stream.indirect_vreg.gather [hbm4b:s7+s5], $0x80, v4, vm0, $0xb8;
	[tilespmem:$0x8080] =	vst v63  }
0x55: {  	_ = 	snop  }
0x56: {  	[tilespmem:s24], [sflag:$0x1] =	stream.indirect_vreg.gather [hbm4b:s7+s5], $0x80, v3, vm0, $0xb8;
	[tilespmem:$0x8080] =	vst v63  }
0x57: {  	v3 =	vld [tilespmem:$0x60];
	_ =	sdelay $0x4  }
0x58: {  	v46 =	vshll.u32 v3, $0x1  }
0x59: {  	v3 =	vand.u32 $0x7, v3;
	v4 =	vand.u32 $0xFFFFFFF0, v46  }
0x5a: {  	v3 =	vor.u32 v3, v4  }
0x5b: {  	v4 =	vperm.xlane v3, v0;
	_ =	sdelay $0x1  }
0x5c: {  	v3 =	vperm.xlane v3, v2;
	v4 =	vadd.s32 v1, v4;
	_ =	sdelay $0x1  }
0x5d: {  	v3 =	vadd.s32 v1, v3;
	_ =	sdelay $0x2  }
0x5e: {  	[tilespmem:s25], [sflag:$0x1] =	stream.indirect_vreg.gather [hbm4b:s7+s5], $0x80, v4, vm0, $0xb8;
	[tilespmem:$0x8080] =	vst v63  }
0x5f: {  	_ = 	snop  }
0x60: {  	[tilespmem:s26], [sflag:$0x1] =	stream.indirect_vreg.gather [hbm4b:s7+s5], $0x80, v3, vm0, $0xb8;
	[tilespmem:$0x8080] =	vst v63  }
0x61: {  	v3 =	vld [tilespmem:$0x70];
	_ =	sdelay $0x4  }
0x62: {  	v47 =	vshll.u32 v3, $0x1  }
0x63: {  	v3 =	vand.u32 $0x7, v3;
	v4 =	vand.u32 $0xFFFFFFF0, v47  }
0x64: {  	v3 =	vor.u32 v3, v4  }
0x65: {  	v4 =	vperm.xlane v3, v0;
	_ =	sdelay $0x1  }
0x66: {  	v3 =	vperm.xlane v3, v2;
	v4 =	vadd.s32 v1, v4;
	_ =	sdelay $0x1  }
0x67: {  	v3 =	vadd.s32 v1, v3;
	_ =	sdelay $0x2  }
0x68: {  	[tilespmem:s28], [sflag:$0x1] =	stream.indirect_vreg.gather [hbm4b:s7+s5], $0x80, v4, vm0, $0xb8;
	[tilespmem:$0x8080] =	vst v63  }
0x69: {  	_ = 	snop  }
0x6a: {  	[tilespmem:s29], [sflag:$0x1] =	stream.indirect_vreg.gather [hbm4b:s7+s5], $0x80, v3, vm0, $0xb8;
	[tilespmem:$0x8080] =	vst v63  }
0x6b: {  	_ =	swait.ge [sflag:s30], $0x8000  }
0x6c: {  	s12 =	sshll.u32 s12, $0x5;
	[sflag:s30] =	ssyncset.done $0x0  }
0x6d: {  	s31 =	sadd.s32 s8, s12;
	[sflag:s30] =	ssyncadd.s32 $0xFFFF8000  }
0x6e: {  	[hbm4b:s31+s5] =	stream.linear.scatter [tilespmem:s0], [sflag:$0x2], $0x8000, $0x38;
	[tilespmem:$0x8080] =	vst v63  }
0x6f: {  	_ =	swait.ge [sflag:s13], $0x8000  }
0x70: {  	[sflag:s13] =	ssyncset.done $0x0  }
0x71: {  	s31 =	sadd.s32 s2, s6;
	[sflag:s13] =	ssyncadd.s32 $0xFFFF8000  }
0x72: {  	[tilespmem:s5], [sflag:$0x2] =	stream.linear.gather [hbm4b:s31+s5], $0x80, $0x38;
	[tilespmem:$0x8080] =	vst v63  }
0x73: {  	_ =	swait.ge [sflag:s13], $0x80  }
0x74: {  	[sflag:s13] =	ssyncset.done $0x0  }
0x75: {  	[sflag:s13] =	ssyncadd.s32 $0xFFFFFF80  }
0x76: {  	v3 =	vld [tilespmem:$0x0];
	_ =	sdelay $0x4  }
0x77: {  	v48 =	vshll.u32 v3, $0x1  }
0x78: {  	v3 =	vand.u32 $0x7, v3;
	v4 =	vand.u32 $0xFFFFFFF0, v48  }
0x79: {  	v3 =	vor.u32 v3, v4  }
0x7a: {  	v4 =	vperm.xlane v3, v0;
	_ =	sdelay $0x1  }
0x7b: {  	v3 =	vperm.xlane v3, v2;
	v4 =	vadd.s32 v1, v4;
	_ =	sdelay $0x1  }
0x7c: {  	v3 =	vadd.s32 v1, v3;
	_ =	sdelay $0x2  }
0x7d: {  	[tilespmem:s0], [sflag:$0x1] =	stream.indirect_vreg.gather [hbm4b:s7+s5], $0x80, v4, vm0, $0xb8;
	[tilespmem:$0x8080] =	vst v63  }
0x7e: {  	_ = 	snop  }
0x7f: {  	[tilespmem:s14], [sflag:$0x1] =	stream.indirect_vreg.gather [hbm4b:s7+s5], $0x80, v3, vm0, $0xb8;
	[tilespmem:$0x8080] =	vst v63  }
0x80: {  	v3 =	vld [tilespmem:$0x10];
	_ =	sdelay $0x4  }
0x81: {  	v49 =	vshll.u32 v3, $0x1  }
0x82: {  	v3 =	vand.u32 $0x7, v3;
	v4 =	vand.u32 $0xFFFFFFF0, v49  }
0x83: {  	v3 =	vor.u32 v3, v4  }
0x84: {  	v4 =	vperm.xlane v3, v0;
	_ =	sdelay $0x1  }
0x85: {  	v3 =	vperm.xlane v3, v2;
	v4 =	vadd.s32 v1, v4;
	_ =	sdelay $0x1  }
0x86: {  	v3 =	vadd.s32 v1, v3;
	_ =	sdelay $0x2  }
0x87: {  	[tilespmem:s15], [sflag:$0x1] =	stream.indirect_vreg.gather [hbm4b:s7+s5], $0x80, v4, vm0, $0xb8;
	[tilespmem:$0x8080] =	vst v63  }
0x88: {  	_ = 	snop  }
0x89: {  	[tilespmem:s16], [sflag:$0x1] =	stream.indirect_vreg.gather [hbm4b:s7+s5], $0x80, v3, vm0, $0xb8;
	[tilespmem:$0x8080] =	vst v63  }
0x8a: {  	v3 =	vld [tilespmem:$0x20];
	_ =	sdelay $0x4  }
0x8b: {  	v50 =	vshll.u32 v3, $0x1  }
0x8c: {  	v3 =	vand.u32 $0x7, v3;
	v4 =	vand.u32 $0xFFFFFFF0, v50  }
0x8d: {  	v3 =	vor.u32 v3, v4  }
0x8e: {  	v4 =	vperm.xlane v3, v0;
	_ =	sdelay $0x1  }
0x8f: {  	v3 =	vperm.xlane v3, v2;
	v4 =	vadd.s32 v1, v4;
	_ =	sdelay $0x1  }
0x90: {  	v3 =	vadd.s32 v1, v3;
	_ =	sdelay $0x2  }
0x91: {  	[tilespmem:s17], [sflag:$0x1] =	stream.indirect_vreg.gather [hbm4b:s7+s5], $0x80, v4, vm0, $0xb8;
	[tilespmem:$0x8080] =	vst v63  }
0x92: {  	_ = 	snop  }
0x93: {  	[tilespmem:s18], [sflag:$0x1] =	stream.indirect_vreg.gather [hbm4b:s7+s5], $0x80, v3, vm0, $0xb8;
	[tilespmem:$0x8080] =	vst v63  }
0x94: {  	v3 =	vld [tilespmem:$0x30];
	_ =	sdelay $0x4  }
0x95: {  	v51 =	vshll.u32 v3, $0x1  }
0x96: {  	v3 =	vand.u32 $0x7, v3;
	v4 =	vand.u32 $0xFFFFFFF0, v51  }
0x97: {  	v3 =	vor.u32 v3, v4  }
0x98: {  	v4 =	vperm.xlane v3, v0;
	_ =	sdelay $0x1  }
0x99: {  	v3 =	vperm.xlane v3, v2;
	v4 =	vadd.s32 v1, v4;
	_ =	sdelay $0x1  }
0x9a: {  	v3 =	vadd.s32 v1, v3;
	_ =	sdelay $0x2  }
0x9b: {  	[tilespmem:s19], [sflag:$0x1] =	stream.indirect_vreg.gather [hbm4b:s7+s5], $0x80, v4, vm0, $0xb8;
	[tilespmem:$0x8080] =	vst v63  }
0x9c: {  	_ = 	snop  }
0x9d: {  	[tilespmem:s20], [sflag:$0x1] =	stream.indirect_vreg.gather [hbm4b:s7+s5], $0x80, v3, vm0, $0xb8;
	[tilespmem:$0x8080] =	vst v63  }
0x9e: {  	v3 =	vld [tilespmem:$0x40];
	_ =	sdelay $0x4  }
0x9f: {  	v52 =	vshll.u32 v3, $0x1  }
0xa0: {  	v3 =	vand.u32 $0x7, v3;
	v4 =	vand.u32 $0xFFFFFFF0, v52  }
0xa1: {  	v3 =	vor.u32 v3, v4  }
0xa2: {  	v4 =	vperm.xlane v3, v0;
	_ =	sdelay $0x1  }
0xa3: {  	v3 =	vperm.xlane v3, v2;
	v4 =	vadd.s32 v1, v4;
	_ =	sdelay $0x1  }
0xa4: {  	v3 =	vadd.s32 v1, v3;
	_ =	sdelay $0x2  }
0xa5: {  	[tilespmem:s21], [sflag:$0x1] =	stream.indirect_vreg.gather [hbm4b:s7+s5], $0x80, v4, vm0, $0xb8;
	[tilespmem:$0x8080] =	vst v63  }
0xa6: {  	_ = 	snop  }
0xa7: {  	[tilespmem:s22], [sflag:$0x1] =	stream.indirect_vreg.gather [hbm4b:s7+s5], $0x80, v3, vm0, $0xb8;
	[tilespmem:$0x8080] =	vst v63  }
0xa8: {  	v3 =	vld [tilespmem:$0x50];
	_ =	sdelay $0x4  }
0xa9: {  	v53 =	vshll.u32 v3, $0x1  }
0xaa: {  	v3 =	vand.u32 $0x7, v3;
	v4 =	vand.u32 $0xFFFFFFF0, v53  }
0xab: {  	v3 =	vor.u32 v3, v4  }
0xac: {  	v4 =	vperm.xlane v3, v0;
	_ =	sdelay $0x1  }
0xad: {  	v3 =	vperm.xlane v3, v2;
	v4 =	vadd.s32 v1, v4;
	_ =	sdelay $0x1  }
0xae: {  	v3 =	vadd.s32 v1, v3;
	_ =	sdelay $0x2  }
0xaf: {  	[tilespmem:s23], [sflag:$0x1] =	stream.indirect_vreg.gather [hbm4b:s7+s5], $0x80, v4, vm0, $0xb8;
	[tilespmem:$0x8080] =	vst v63  }
0xb0: {  	_ = 	snop  }
0xb1: {  	[tilespmem:s24], [sflag:$0x1] =	stream.indirect_vreg.gather [hbm4b:s7+s5], $0x80, v3, vm0, $0xb8;
	[tilespmem:$0x8080] =	vst v63  }
0xb2: {  	v3 =	vld [tilespmem:$0x60];
	_ =	sdelay $0x4  }
0xb3: {  	v54 =	vshll.u32 v3, $0x1  }
0xb4: {  	v3 =	vand.u32 $0x7, v3;
	v4 =	vand.u32 $0xFFFFFFF0, v54  }
0xb5: {  	v3 =	vor.u32 v3, v4  }
0xb6: {  	v4 =	vperm.xlane v3, v0;
	_ =	sdelay $0x1  }
0xb7: {  	v3 =	vperm.xlane v3, v2;
	v4 =	vadd.s32 v1, v4;
	_ =	sdelay $0x1  }
0xb8: {  	v3 =	vadd.s32 v1, v3;
	_ =	sdelay $0x2  }
0xb9: {  	[tilespmem:s25], [sflag:$0x1] =	stream.indirect_vreg.gather [hbm4b:s7+s5], $0x80, v4, vm0, $0xb8;
	[tilespmem:$0x8080] =	vst v63  }
0xba: {  	_ = 	snop  }
0xbb: {  	[tilespmem:s26], [sflag:$0x1] =	stream.indirect_vreg.gather [hbm4b:s7+s5], $0x80, v3, vm0, $0xb8;
	[tilespmem:$0x8080] =	vst v63  }
0xbc: {  	v3 =	vld [tilespmem:$0x70];
	_ =	sdelay $0x4  }
0xbd: {  	v55 =	vshll.u32 v3, $0x1  }
0xbe: {  	v3 =	vand.u32 $0x7, v3;
	v4 =	vand.u32 $0xFFFFFFF0, v55  }
0xbf: {  	v3 =	vor.u32 v3, v4  }
0xc0: {  	v4 =	vperm.xlane v3, v0;
	_ =	sdelay $0x1  }
0xc1: {  	v3 =	vperm.xlane v3, v2;
	v4 =	vadd.s32 v1, v4;
	_ =	sdelay $0x1  }
0xc2: {  	v3 =	vadd.s32 v1, v3;
	_ =	sdelay $0x2  }
0xc3: {  	[tilespmem:s28], [sflag:$0x1] =	stream.indirect_vreg.gather [hbm4b:s7+s5], $0x80, v4, vm0, $0xb8;
	[tilespmem:$0x8080] =	vst v63  }
0xc4: {  	_ = 	snop  }
0xc5: {  	[tilespmem:s29], [sflag:$0x1] =	stream.indirect_vreg.gather [hbm4b:s7+s5], $0x80, v3, vm0, $0xb8;
	[tilespmem:$0x8080] =	vst v63  }
0xc6: {  	_ =	swait.ge [sflag:s30], $0x8000  }
0xc7: {  	[sflag:s30] =	ssyncset.done $0x0  }
0xc8: {  	s31 =	sadd.s32 s9, s12;
	[sflag:s30] =	ssyncadd.s32 $0xFFFF8000  }
0xc9: {  	[hbm4b:s31+s5] =	stream.linear.scatter [tilespmem:s0], [sflag:$0x2], $0x8000, $0x38;
	[tilespmem:$0x8080] =	vst v63  }
0xca: {  	_ =	swait.ge [sflag:s13], $0x8000  }
0xcb: {  	[sflag:s13] =	ssyncset.done $0x0  }
0xcc: {  	s6 =	sadd.s32 s3, s6;
	[sflag:s13] =	ssyncadd.s32 $0xFFFF8000  }
0xcd: {  	[tilespmem:s5], [sflag:$0x2] =	stream.linear.gather [hbm4b:s6+s5], $0x80, $0x38;
	[tilespmem:$0x8080] =	vst v63  }
0xce: {  	_ =	swait.ge [sflag:s13], $0x80  }
0xcf: {  	[sflag:s13] =	ssyncset.done $0x0  }
0xd0: {  	[sflag:s13] =	ssyncadd.s32 $0xFFFFFF80  }
0xd1: {  	v3 =	vld [tilespmem:$0x0];
	_ =	sdelay $0x4  }
0xd2: {  	v56 =	vshll.u32 v3, $0x1  }
0xd3: {  	v3 =	vand.u32 $0x7, v3;
	v4 =	vand.u32 $0xFFFFFFF0, v56  }
0xd4: {  	v3 =	vor.u32 v3, v4  }
0xd5: {  	v4 =	vperm.xlane v3, v0;
	_ =	sdelay $0x1  }
0xd6: {  	v3 =	vperm.xlane v3, v2;
	v4 =	vadd.s32 v1, v4;
	_ =	sdelay $0x1  }
0xd7: {  	v3 =	vadd.s32 v1, v3;
	_ =	sdelay $0x2  }
0xd8: {  	[tilespmem:s0], [sflag:$0x1] =	stream.indirect_vreg.gather [hbm4b:s4+s5], $0x80, v4, vm0, $0xb8;
	[tilespmem:$0x8080] =	vst v63  }
0xd9: {  	_ = 	snop  }
0xda: {  	[tilespmem:s14], [sflag:$0x1] =	stream.indirect_vreg.gather [hbm4b:s4+s5], $0x80, v3, vm0, $0xb8;
	[tilespmem:$0x8080] =	vst v63  }
0xdb: {  	v3 =	vld [tilespmem:$0x10];
	_ =	sdelay $0x4  }
0xdc: {  	v57 =	vshll.u32 v3, $0x1  }
0xdd: {  	v3 =	vand.u32 $0x7, v3;
	v4 =	vand.u32 $0xFFFFFFF0, v57  }
0xde: {  	v3 =	vor.u32 v3, v4  }
0xdf: {  	v4 =	vperm.xlane v3, v0;
	_ =	sdelay $0x1  }
0xe0: {  	v3 =	vperm.xlane v3, v2;
	v4 =	vadd.s32 v1, v4;
	_ =	sdelay $0x1  }
0xe1: {  	v3 =	vadd.s32 v1, v3;
	_ =	sdelay $0x2  }
0xe2: {  	[tilespmem:s15], [sflag:$0x1] =	stream.indirect_vreg.gather [hbm4b:s4+s5], $0x80, v4, vm0, $0xb8;
	[tilespmem:$0x8080] =	vst v63  }
0xe3: {  	_ = 	snop  }
0xe4: {  	[tilespmem:s16], [sflag:$0x1] =	stream.indirect_vreg.gather [hbm4b:s4+s5], $0x80, v3, vm0, $0xb8;
	[tilespmem:$0x8080] =	vst v63  }
0xe5: {  	v3 =	vld [tilespmem:$0x20];
	_ =	sdelay $0x4  }
0xe6: {  	v58 =	vshll.u32 v3, $0x1  }
0xe7: {  	v3 =	vand.u32 $0x7, v3;
	v4 =	vand.u32 $0xFFFFFFF0, v58  }
0xe8: {  	v3 =	vor.u32 v3, v4  }
0xe9: {  	v4 =	vperm.xlane v3, v0;
	_ =	sdelay $0x1  }
0xea: {  	v3 =	vperm.xlane v3, v2;
	v4 =	vadd.s32 v1, v4;
	_ =	sdelay $0x1  }
0xeb: {  	v3 =	vadd.s32 v1, v3;
	_ =	sdelay $0x2  }
0xec: {  	[tilespmem:s17], [sflag:$0x1] =	stream.indirect_vreg.gather [hbm4b:s4+s5], $0x80, v4, vm0, $0xb8;
	[tilespmem:$0x8080] =	vst v63  }
0xed: {  	_ = 	snop  }
0xee: {  	[tilespmem:s18], [sflag:$0x1] =	stream.indirect_vreg.gather [hbm4b:s4+s5], $0x80, v3, vm0, $0xb8;
	[tilespmem:$0x8080] =	vst v63  }
0xef: {  	v3 =	vld [tilespmem:$0x30];
	_ =	sdelay $0x4  }
0xf0: {  	v59 =	vshll.u32 v3, $0x1  }
0xf1: {  	v3 =	vand.u32 $0x7, v3;
	v4 =	vand.u32 $0xFFFFFFF0, v59  }
0xf2: {  	v3 =	vor.u32 v3, v4  }
0xf3: {  	v4 =	vperm.xlane v3, v0;
	_ =	sdelay $0x1  }
0xf4: {  	v3 =	vperm.xlane v3, v2;
	v4 =	vadd.s32 v1, v4;
	_ =	sdelay $0x1  }
0xf5: {  	v3 =	vadd.s32 v1, v3;
	_ =	sdelay $0x2  }
0xf6: {  	[tilespmem:s19], [sflag:$0x1] =	stream.indirect_vreg.gather [hbm4b:s4+s5], $0x80, v4, vm0, $0xb8;
	[tilespmem:$0x8080] =	vst v63  }
0xf7: {  	_ = 	snop  }
0xf8: {  	[tilespmem:s20], [sflag:$0x1] =	stream.indirect_vreg.gather [hbm4b:s4+s5], $0x80, v3, vm0, $0xb8;
	[tilespmem:$0x8080] =	vst v63  }
0xf9: {  	v3 =	vld [tilespmem:$0x40];
	_ =	sdelay $0x4  }
0xfa: {  	v60 =	vshll.u32 v3, $0x1  }
0xfb: {  	v3 =	vand.u32 $0x7, v3;
	v4 =	vand.u32 $0xFFFFFFF0, v60  }
0xfc: {  	v3 =	vor.u32 v3, v4  }
0xfd: {  	v4 =	vperm.xlane v3, v0;
	_ =	sdelay $0x1  }
0xfe: {  	v3 =	vperm.xlane v3, v2;
	v4 =	vadd.s32 v1, v4;
	_ =	sdelay $0x1  }
0xff: {  	v3 =	vadd.s32 v1, v3;
	_ =	sdelay $0x2  }
0x100: {  	[tilespmem:s21], [sflag:$0x1] =	stream.indirect_vreg.gather [hbm4b:s4+s5], $0x80, v4, vm0, $0xb8;
	[tilespmem:$0x8080] =	vst v63  }
0x101: {  	_ = 	snop  }
0x102: {  	[tilespmem:s22], [sflag:$0x1] =	stream.indirect_vreg.gather [hbm4b:s4+s5], $0x80, v3, vm0, $0xb8;
	[tilespmem:$0x8080] =	vst v63  }
0x103: {  	v3 =	vld [tilespmem:$0x50];
	_ =	sdelay $0x4  }
0x104: {  	v61 =	vshll.u32 v3, $0x1  }
0x105: {  	v3 =	vand.u32 $0x7, v3;
	v4 =	vand.u32 $0xFFFFFFF0, v61  }
0x106: {  	v3 =	vor.u32 v3, v4  }
0x107: {  	v4 =	vperm.xlane v3, v0;
	_ =	sdelay $0x1  }
0x108: {  	v3 =	vperm.xlane v3, v2;
	v4 =	vadd.s32 v1, v4;
	_ =	sdelay $0x1  }
0x109: {  	v3 =	vadd.s32 v1, v3;
	_ =	sdelay $0x2  }
0x10a: {  	[tilespmem:s23], [sflag:$0x1] =	stream.indirect_vreg.gather [hbm4b:s4+s5], $0x80, v4, vm0, $0xb8;
	[tilespmem:$0x8080] =	vst v63  }
0x10b: {  	_ = 	snop  }
0x10c: {  	[tilespmem:s24], [sflag:$0x1] =	stream.indirect_vreg.gather [hbm4b:s4+s5], $0x80, v3, vm0, $0xb8;
	[tilespmem:$0x8080] =	vst v63  }
0x10d: {  	v3 =	vld [tilespmem:$0x60];
	_ =	sdelay $0x4  }
0x10e: {  	v62 =	vshll.u32 v3, $0x1  }
0x10f: {  	v3 =	vand.u32 $0x7, v3;
	v4 =	vand.u32 $0xFFFFFFF0, v62  }
0x110: {  	v3 =	vor.u32 v3, v4  }
0x111: {  	v4 =	vperm.xlane v3, v0;
	_ =	sdelay $0x1  }
0x112: {  	v3 =	vperm.xlane v3, v2;
	v4 =	vadd.s32 v1, v4;
	_ =	sdelay $0x1  }
0x113: {  	v3 =	vadd.s32 v1, v3;
	_ =	sdelay $0x2  }
0x114: {  	[tilespmem:s25], [sflag:$0x1] =	stream.indirect_vreg.gather [hbm4b:s4+s5], $0x80, v4, vm0, $0xb8;
	[tilespmem:$0x8080] =	vst v63  }
0x115: {  	_ = 	snop  }
0x116: {  	[tilespmem:s26], [sflag:$0x1] =	stream.indirect_vreg.gather [hbm4b:s4+s5], $0x80, v3, vm0, $0xb8;
	[tilespmem:$0x8080] =	vst v63  }
0x117: {  	v3 =	vld [tilespmem:$0x70];
	_ =	sdelay $0x4  }
0x118: {  	v63 =	vshll.u32 v3, $0x1  }
0x119: {  	v3 =	vand.u32 $0x7, v3;
	v4 =	vand.u32 $0xFFFFFFF0, v63  }
0x11a: {  	v3 =	vor.u32 v3, v4  }
0x11b: {  	v4 =	vperm.xlane v3, v0;
	_ =	sdelay $0x1  }
0x11c: {  	v3 =	vperm.xlane v3, v2;
	v4 =	vadd.s32 v1, v4;
	_ =	sdelay $0x1  }
0x11d: {  	v3 =	vadd.s32 v1, v3;
	_ =	sdelay $0x2  }
0x11e: {  	[tilespmem:s28], [sflag:$0x1] =	stream.indirect_vreg.gather [hbm4b:s4+s5], $0x80, v4, vm0, $0xb8;
	[tilespmem:$0x8080] =	vst v63  }
0x11f: {  	_ = 	snop  }
0x120: {  	[tilespmem:s29], [sflag:$0x1] =	stream.indirect_vreg.gather [hbm4b:s4+s5], $0x80, v3, vm0, $0xb8;
	[tilespmem:$0x8080] =	vst v63  }
0x121: {  	_ =	swait.ge [sflag:s30], $0x8000  }
0x122: {  	p1 =	por p0, p0;
	[sflag:s30] =	ssyncset.done $0x0  }
.Ltmp0:
0x123: {  	s31 =	sadd.s32 s10, s12;
	[sflag:s30] =	ssyncadd.s32 $0xFFFF8000;
	(pc) =	sbr.rel @p1 .LBB2_2-.Ltmp0, $4  }
0x124: {  	[hbm4b:s31+s5] =	stream.linear.scatter [tilespmem:s0], [sflag:$0x2], $0x8000, $0x38;
	[tilespmem:$0x8080] =	vst v63  }
0x125: {  	_ =	swait.ge [sflag:s13], $0x8000  }
0x126: {  	[sflag:s13] =	ssyncset.done $0x0  }
0x127: {  	p0 =	por $0x0, $0x0;
	[sflag:s13] =	ssyncadd.s32 $0xFFFF8000  }
0x128: {  	s6 =	rddreg [dreg:$0x7]  }
0x129: {  	s0 =	rddreg [dreg:$0x6];
	s6 =	sadd.s32 $0x1, s6  }
0x12a: {  	p0 =	sne.s32 s6, s0  }
.Ltmp1:
0x12b: {  	_ = 	snop;
	(pc) =	sbr.rel @p0 .LBB2_1-.Ltmp1, $1  }
0x12c: {  	_ =	sdelay $0x3  }
0x12d: {  	_ =	sfence.sel $0x180000  }
0x12e: {  	[bflag:$0x0] =	sbarrier.arrive $0xFFFF  }
0x12f: {  	_ =	strace $0x90000050  }
0x130: {  	s0 =	stileid.u32;
	[bflag:$0x2] =	sbarrier.arrive $0xFFFF  }
0x131: {  	p0 =	sne.s32 s0, $0x0;
	s0 =	rddreg [dreg:$0x5]  }
0x132: {  	s0 =	sadd.s32 @!p0 $0x100000, s0  }
0x133: {  	[sflag:s0] =	ssyncadd.tile.s32 @!p0 $0x1;
	_ =	shalt  }
.Lfunc_end2:
_tile_overlayer_lowered:
.L_overlay_start_2:
0x134: {  	(tag) =	ssettag $0x2  }
0x135: {  	s0 =	rddreg [dreg:$0x0];
	s2 =	stileid.u32  }
0x136: {  	s1 =	rddreg [dreg:$0x1];
	p0 =	sne.s32 s2, $0x0  }
0x137: {  	s3 =	rddreg [dreg:$0x2];
	[bflag:$0x3] =	sbarrier.arrive $0xFFFF;
	s2 =	simm.s32 @!p0 $0x1C02  }
0x138: {  	[timem:s3], [sflag:s2] =	dma.local @!p0 [hbm:s0], s1  }
0x139: {  	s0 =	simm.s32 @!p0 $0x2  }
0x13a: {  	_ =	swait.ge @!p0 [sflag:s0], s1  }
0x13b: {  	s1 =	ssub.s32 @!p0 $0x0, s1;
	[sflag:s0] =	ssyncset.done @!p0 $0x0  }
0x13c: {  	[sflag:s0] =	ssyncadd.s32 @!p0 s1  }
0x13d: {  	[bflag:$0x3] =	sbarrier.arrive $0xFFFF  }
0x13e: {  	_ =	shalt  }

</sc_bundles>
